<compile_context>
chip_gen: v7x
topology: tpu7x:2x2x1
jax: 0.10.2.dev20260603
libtpu: 0.0.44.dev20260713+nightly
codegen_flags: <defaults>
</compile_context>

<pallas_src>
import functools

import jax
import jax.numpy as jnp
from jax import lax
from jax.experimental import pallas as pl
from jax.experimental.pallas import tpu as pltpu
from jax.experimental.pallas import tpu_sc as plsc

N = 10000
E = 320000
NC = 4096
G = 4096
A2C = 12000
TE = 8192
H = 128
OUT = 128
L = 3

NCORE = 2
NSUB = 16
NW = NCORE * NSUB
C = 80
UNIT = NW * C
ZR = 16


def _rup(x, m):
    return (x + m - 1) // m * m


def _mesh():
    return plsc.VectorSubcoreMesh(core_axis_name="c", subcore_axis_name="s")



def _sc_counts(sidx, num_out, mp):
    ones_tab = jnp.ones((8, H), jnp.float32)
    return _sc_seg_sum(ones_tab, jnp.zeros_like(sidx), sidx,
                       num_out=num_out, mp=mp)


@functools.partial(jax.jit, static_argnames=("num_out", "mp"))
def _sc_seg_sum(table, gidx, sidx, num_out, mp):
    nop = _rup(num_out + 1, 256)
    rpt = nop // NSUB
    nch = mp // NW // C

    @functools.partial(
        pl.kernel, mesh=_mesh(),
        out_type=jax.ShapeDtypeStruct((NCORE * nop, H), jnp.float32),
        scratch_types=[
            pltpu.VMEM((C,), jnp.int32),
            pltpu.VMEM((C,), jnp.int32),
            pltpu.VMEM((C, H), jnp.float32),
            pltpu.VMEM((ZR, H), jnp.float32),
            pltpu.VMEM_SHARED((nop, H), jnp.float32),
            pltpu.SemaphoreType.DMA,
        ])
    def k(table_hbm, gidx_hbm, sidx_hbm, out_hbm,
          gidx_v, sidx_v, rows_v, zero_v, acc_sh, sem):
        cid = lax.axis_index("c")
        tid = lax.axis_index("s")
        wid = cid * NSUB + tid
        zv = jnp.zeros((16,), jnp.float32)
        for r in range(ZR):
            for hb in range(H // 16):
                zero_v[r, pl.ds(hb * 16, 16)] = zv

        def zbody(i, _):
            pltpu.sync_copy(zero_v, acc_sh.at[pl.ds(tid * rpt + i * ZR, ZR)])
            return 0
        lax.fori_loop(0, rpt // ZR, zbody, 0)
        plsc.subcore_barrier()
        mpw = nch * C

        def body(i, _):
            off = wid * mpw + i * C
            pltpu.sync_copy(gidx_hbm.at[pl.ds(off, C)], gidx_v)
            pltpu.sync_copy(sidx_hbm.at[pl.ds(off, C)], sidx_v)
            pltpu.async_copy(table_hbm.at[gidx_v], rows_v, sem).wait()
            pltpu.sync_copy(rows_v, acc_sh.at[sidx_v], add=True)
            return 0
        lax.fori_loop(0, nch, body, 0)
        plsc.subcore_barrier()
        pltpu.sync_copy(acc_sh.at[pl.ds(tid * rpt, rpt)],
                        out_hbm.at[pl.ds(cid * nop + tid * rpt, rpt)])

    return k(table, gidx, sidx)


@functools.partial(jax.jit, static_argnames=("mp",))
def _sc_edge(h, bc, row, col, a0, a1, a2, mp):
    nop = _rup(N + 1, 256)
    rpt = nop // NSUB
    nch = mp // NW // C

    @functools.partial(
        pl.kernel, mesh=_mesh(),
        out_type=jax.ShapeDtypeStruct((NCORE * nop, H), jnp.float32),
        scratch_types=[
            pltpu.VMEM((C,), jnp.int32),
            pltpu.VMEM((C,), jnp.int32),
            pltpu.VMEM((C,), jnp.int32),
            pltpu.VMEM((C,), jnp.int32),
            pltpu.VMEM((C,), jnp.int32),
            pltpu.VMEM((C,), jnp.int32),
            pltpu.VMEM((C, H), jnp.float32),
            pltpu.VMEM((C, H), jnp.float32),
            pltpu.VMEM((ZR, H), jnp.float32),
            pltpu.VMEM_SHARED((nop, H), jnp.float32),
            pltpu.SemaphoreType.DMA,
        ])
    def k(h_hbm, bc_hbm, row_hbm, col_hbm, a0_hbm, a1_hbm, a2_hbm, out_hbm,
          gidx_v, sidx_v, a0_v, a1_v, a2_v, code_v, hrows_v, erows_v,
          zero_v, acc_sh, sem):
        cid = lax.axis_index("c")
        tid = lax.axis_index("s")
        wid = cid * NSUB + tid
        zv = jnp.zeros((16,), jnp.float32)
        for r in range(ZR):
            for hb in range(H // 16):
                zero_v[r, pl.ds(hb * 16, 16)] = zv

        def zbody(i, _):
            pltpu.sync_copy(zero_v, acc_sh.at[pl.ds(tid * rpt + i * ZR, ZR)])
            return 0
        lax.fori_loop(0, rpt // ZR, zbody, 0)
        plsc.subcore_barrier()
        mpw = nch * C

        def body(i, _):
            off = wid * mpw + i * C
            pltpu.sync_copy(row_hbm.at[pl.ds(off, C)], gidx_v)
            pltpu.sync_copy(col_hbm.at[pl.ds(off, C)], sidx_v)
            pltpu.sync_copy(a0_hbm.at[pl.ds(off, C)], a0_v)
            pltpu.sync_copy(a1_hbm.at[pl.ds(off, C)], a1_v)
            pltpu.sync_copy(a2_hbm.at[pl.ds(off, C)], a2_v)
            for j in range(C // 16):
                s = pl.ds(j * 16, 16)
                code_v[s] = a0_v[s] * 36 + a1_v[s] * 6 + a2_v[s]
            pltpu.async_copy(h_hbm.at[gidx_v], hrows_v, sem).wait()
            pltpu.async_copy(bc_hbm.at[code_v], erows_v, sem).wait()

            def rbody(r, _):
                for hb in range(H // 16):
                    s = pl.ds(hb * 16, 16)
                    hrows_v[r, s] = jnp.maximum(hrows_v[r, s] + erows_v[r, s], 0.0)
                return 0
            lax.fori_loop(0, C, rbody, 0)
            pltpu.sync_copy(hrows_v, acc_sh.at[sidx_v], add=True)
            return 0
        lax.fori_loop(0, nch, body, 0)
        plsc.subcore_barrier()
        pltpu.sync_copy(acc_sh.at[pl.ds(tid * rpt, rpt)],
                        out_hbm.at[pl.ds(cid * nop + tid * rpt, rpt)])

    return k(h, bc, row, col, a0, a1, a2)



def _bn_in(t, g, b):
    mu = jnp.mean(t, axis=0, keepdims=True)
    var = jnp.mean((t - mu) * (t - mu), axis=0, keepdims=True)
    return g * (t - mu) * lax.rsqrt(var + 1e-5) + b


def _tc_combine_call(p2, nrows, nop):
    def f(p_ref, o_ref):
        o_ref[...] = p_ref[0:nrows, :] + p_ref[nop:nop + nrows, :]

    return pl.pallas_call(
        f, out_shape=jax.ShapeDtypeStruct((nrows, H), jnp.float32),
    )(p2)


def _tc_mm1_call(h, agg2, nrows, nop, eps, W1, b1):
    def f(h_ref, agg_ref, eps_ref, W1_ref, b1_ref, o_ref):
        agg = agg_ref[0:nrows, :] + agg_ref[nop:nop + nrows, :]
        z = (1.0 + eps_ref[0, 0]) * h_ref[...] + agg
        o_ref[...] = jnp.dot(z, W1_ref[...], preferred_element_type=jnp.float32) + b1_ref[...]

    return pl.pallas_call(
        f, out_shape=jax.ShapeDtypeStruct((nrows, 2 * H), jnp.float32),
    )(h, agg2, eps, W1, b1)


def _tc_mm2_call(t, mu, var, g1, be1, W2, b2, nrows):
    def f(t_ref, mu_ref, var_ref, g_ref, be_ref, W2_ref, b2_ref, o_ref):
        tt = t_ref[...]
        tn = g_ref[...] * (tt - mu_ref[...]) / jnp.sqrt(var_ref[...] + 1e-5) + be_ref[...]
        tn = jnp.maximum(tn, 0.0)
        o_ref[...] = jnp.dot(tn, W2_ref[...], preferred_element_type=jnp.float32) + b2_ref[...]

    return pl.pallas_call(
        f, out_shape=jax.ShapeDtypeStruct((nrows, H), jnp.float32),
    )(t, mu, var, g1, be1, W2, b2)


def _tc_bn_relu_call(u, mu, var, g, b, nrows):
    def f(u_ref, mu_ref, var_ref, g_ref, b_ref, o_ref):
        uu = u_ref[...]
        un = g_ref[...] * (uu - mu_ref[...]) / jnp.sqrt(var_ref[...] + 1e-5) + b_ref[...]
        o_ref[...] = jnp.maximum(un, 0.0)

    return pl.pallas_call(
        f, out_shape=jax.ShapeDtypeStruct((nrows, H), jnp.float32),
    )(u, mu, var, g, b)


def _gin_mlp(h, agg2, nrows, nop, eps, W1, b1, g1, be1, W2, b2, bng, bnb):
    t = _tc_mm1_call(h, agg2, nrows, nop, eps, W1, b1)
    mu1, var1 = jnp.mean(t, axis=0), jnp.var(t, axis=0)
    u = _tc_mm2_call(t, mu1.reshape(1, -1), var1.reshape(1, -1),
                     g1, be1, W2, b2, nrows)
    mu2, var2 = jnp.mean(u, axis=0), jnp.var(u, axis=0)
    return _tc_bn_relu_call(u, mu2.reshape(1, -1), var2.reshape(1, -1),
                            bng, bnb, nrows)


def _tc_mean_update_call(base, sum2, cnt2, nrows, nop, W, b):
    def f(base_ref, sum_ref, cnt_ref, W_ref, b_ref, o_ref):
        s = sum_ref[0:nrows, :] + sum_ref[nop:nop + nrows, :]
        c = cnt_ref[0:nrows, 0:1] + cnt_ref[nop:nop + nrows, 0:1]
        mean = s / jnp.maximum(c, 1.0)
        t = jnp.dot(mean, W_ref[...], preferred_element_type=jnp.float32) + b_ref[...]
        o_ref[...] = base_ref[...] + jnp.maximum(t, 0.0)

    return pl.pallas_call(
        f, out_shape=jax.ShapeDtypeStruct((nrows, H), jnp.float32),
    )(base, sum2, cnt2, W, b)


def _tc_readout_call(sG2, cntG2, nop, hc, Wa, ba, Wc, bcl, W, b):
    def f(s_ref, c_ref, hc_ref, Wa_ref, ba_ref, Wc_ref, bc_ref, W_ref, b_ref, o_ref):
        s = s_ref[0:G, :] + s_ref[nop:nop + G, :]
        c = c_ref[0:G, 0:1] + c_ref[nop:nop + G, 0:1]
        xg = s / jnp.maximum(c, 1.0)
        xg = jnp.dot(xg, Wa_ref[...], preferred_element_type=jnp.float32) + ba_ref[...]
        xc = jnp.dot(hc_ref[...], Wc_ref[...], preferred_element_type=jnp.float32) + bc_ref[...]
        t = jnp.maximum(xg + xc, 0.0)
        o_ref[...] = jnp.dot(t, W_ref[...], preferred_element_type=jnp.float32) + b_ref[...]

    return pl.pallas_call(
        f, out_shape=jax.ShapeDtypeStruct((G, OUT), jnp.float32),
    )(sG2, cntG2, hc, Wa, ba, Wc, bcl, W, b)



def _pad_pair(g, s, num_out):
    m = g.shape[0]
    mp = _rup(m, UNIT)
    if mp != m:
        g = jnp.concatenate([g, jnp.zeros((mp - m,), jnp.int32)])
        s = jnp.concatenate([s, jnp.full((mp - m,), num_out, jnp.int32)])
    return g, s, mp


def kernel(x, edge_index, edge_attr, x_clique, atom2clique_index,
           tree_edge_index, batch, num_cliques, params):
    p = params
    i32 = jnp.int32
    row = edge_index[0].astype(i32)
    col = edge_index[1].astype(i32)
    a0 = edge_attr[:, 0].astype(i32)
    a1 = edge_attr[:, 1].astype(i32)
    a2 = edge_attr[:, 2].astype(i32)
    arow = atom2clique_index[0].astype(i32)
    acol = atom2clique_index[1].astype(i32)
    trow = tree_edge_index[0].astype(i32)
    tcol = tree_edge_index[1].astype(i32)
    batch_i = batch.astype(i32)
    nopN = _rup(N + 1, 256)
    nopC = _rup(NC + 1, 256)
    nopG = _rup(G + 1, 256)

    ar_p, ac_p, mpA = _pad_pair(arow, acol, NC)
    ac_g, ar_s, _ = _pad_pair(acol, arow, N)
    tr_p, tc_p, mpT = _pad_pair(trow, tcol, NC)
    rng = jnp.arange(N, dtype=i32)
    rng_p, b_p, mpB = _pad_pair(rng, batch_i, G)

    def scal(v):
        return v.reshape(1, 1).astype(jnp.float32)

    def vec(v):
        return v.reshape(1, -1).astype(jnp.float32)

    ax_g = (x.astype(i32) + 100 * jnp.arange(9, dtype=i32)[None, :]).reshape(-1)
    ax_s = jnp.repeat(jnp.arange(N, dtype=i32), 9)
    ax_g, ax_s, mpAX = _pad_pair(ax_g, ax_s, N)
    h0p = _sc_seg_sum(p['atom_emb'].reshape(900, H), ax_g, ax_s,
                      num_out=N, mp=mpAX)
    h = _tc_combine_call(h0p, N, nopN)
    cq_g, cq_s, mpCQ = _pad_pair(x_clique.astype(i32),
                                 jnp.arange(NC, dtype=i32), NC)
    hc0p = _sc_seg_sum(p['clique_emb'], cq_g, cq_s, num_out=NC, mp=mpCQ)
    hc = _tc_combine_call(hc0p, NC, nopC)
    kk = jnp.arange(216, dtype=i32)
    gb = []
    sb = []
    for i in range(L):
        gb.append(jnp.stack([18 * i + kk // 36,
                             18 * i + 6 + (kk // 6) % 6,
                             18 * i + 12 + kk % 6], axis=1).reshape(-1))
        sb.append(jnp.repeat(216 * i + kk, 3))
    gb = jnp.concatenate(gb)
    sb = jnp.concatenate(sb)
    gb, sb, mpBC = _pad_pair(gb, sb, L * 216)
    nopB = _rup(L * 216 + 1, 256)
    bcp = _sc_seg_sum(p['bond_emb'].reshape(54, H), gb, sb,
                      num_out=L * 216, mp=mpBC)
    bc_all = _tc_combine_call(bcp, L * 216, nopB).reshape(L, 216, H)

    cntC = _sc_counts(ac_p, num_out=NC, mp=mpA)
    cntN = _sc_counts(ar_s, num_out=N, mp=mpA)
    cntG = _sc_counts(b_p, num_out=G, mp=mpB)

    for i in range(L):
        agg2 = _sc_edge(h, bc_all[i], row, col, a0, a1, a2, mp=E)
        h = _gin_mlp(
            h, agg2, N, nopN, scal(p['atom_eps'][i]),
            p['atom_W1'][i], vec(p['atom_b1'][i]), vec(p['atom_g1'][i]),
            vec(p['atom_be1'][i]), p['atom_W2'][i], vec(p['atom_b2'][i]),
            vec(p['atom_bn_g'][i]), vec(p['atom_bn_b'][i]))
        sAC = _sc_seg_sum(h, ar_p, ac_p, num_out=NC, mp=mpA)
        hc = _tc_mean_update_call(hc, sAC, cntC, NC, nopC,
                                  p['a2c_W'][i], vec(p['a2c_b'][i]))
        sT = _sc_seg_sum(hc, tr_p, tc_p, num_out=NC, mp=mpT)
        hc = _gin_mlp(
            hc, sT, NC, nopC, scal(p['clique_eps'][i]),
            p['clique_W1'][i], vec(p['clique_b1'][i]), vec(p['clique_g1'][i]),
            vec(p['clique_be1'][i]), p['clique_W2'][i], vec(p['clique_b2'][i]),
            vec(p['clique_bn_g'][i]), vec(p['clique_bn_b'][i]))
        sCA = _sc_seg_sum(hc, ac_g, ar_s, num_out=N, mp=mpA)
        h = _tc_mean_update_call(h, sCA, cntN, N, nopN,
                                 p['c2a_W'][i], vec(p['c2a_b'][i]))

    sG = _sc_seg_sum(h, rng_p, b_p, num_out=G, mp=mpB)
    out = _tc_readout_call(sG, cntG, nopG, hc,
                           p['atom_lin_W'], vec(p['atom_lin_b']),
                           p['clique_lin_W'], vec(p['clique_lin_b']),
                           p['lin_W'], vec(p['lin_b']))
    return out

# --- scband reference (transcript-rebuilt; emitter-appended) ---
"""Pipeline reference for scband-net-17884243821209 (READ-ONLY COPY).

The authoritative reference and input builder live on the scoring server;
editing this copy changes nothing except your own understanding.
"""

import jax, jax.numpy as jnp
import numpy as np

N = 10000
E = 320000
NC = 4096
G = 4096
A2C = 12000
TE = 8192
H = 128
OUT = 128
L = 3


def _bn(h, g, b, eps=1e-5):
    mu = jnp.mean(h, axis=0)
    var = jnp.var(h, axis=0)
    return g * (h - mu) / jnp.sqrt(var + eps) + b


def _mlp(h, W1, b1, g1, be1, W2, b2):
    h = h @ W1 + b1
    h = _bn(h, g1, be1)
    h = jax.nn.relu(h)
    return h @ W2 + b2


def _seg_mean(vals, idx, num):
    s = jax.ops.segment_sum(vals, idx, num_segments=num)
    c = jax.ops.segment_sum(jnp.ones((vals.shape[0],), dtype=vals.dtype), idx, num_segments=num)
    return s / jnp.clip(c, 1.0, None)[:, None]


def setup_inputs(seed: int = 0):
    key = jax.random.key(seed)
    ks = jax.random.split(key, 64)
    x = jax.random.randint(ks[0], (N, 9), 0, 100)
    edge_index = jax.random.randint(ks[1], (2, E), 0, N)
    edge_attr = jax.random.randint(ks[2], (E, 3), 0, 6)
    x_clique = jax.random.randint(ks[3], (NC,), 0, 4)
    atom2clique_index = jnp.stack([
        jax.random.randint(ks[4], (A2C,), 0, N),
        jax.random.randint(ks[5], (A2C,), 0, NC),
    ])
    tree_edge_index = jax.random.randint(ks[6], (2, TE), 0, NC)
    batch = jnp.sort(jax.random.randint(ks[7], (N,), 0, G))
    num_cliques = jnp.ones((G,), dtype=jnp.int32)

    def nrm(k, shape, s=0.05):
        return jax.random.normal(k, shape, dtype=jnp.float32) * s

    params = {
        'atom_emb': nrm(ks[8], (9, 100, H)),
        'clique_emb': nrm(ks[9], (4, H)),
        'bond_emb': nrm(ks[10], (L, 3, 6, H)),
        'atom_eps': jnp.zeros((L,), jnp.float32),
        'atom_W1': nrm(ks[11], (L, H, 2 * H)),
        'atom_b1': jnp.zeros((L, 2 * H), jnp.float32),
        'atom_g1': jnp.ones((L, 2 * H), jnp.float32),
        'atom_be1': jnp.zeros((L, 2 * H), jnp.float32),
        'atom_W2': nrm(ks[12], (L, 2 * H, H)),
        'atom_b2': jnp.zeros((L, H), jnp.float32),
        'atom_bn_g': jnp.ones((L, H), jnp.float32),
        'atom_bn_b': jnp.zeros((L, H), jnp.float32),
        'clique_eps': jnp.zeros((L,), jnp.float32),
        'clique_W1': nrm(ks[13], (L, H, 2 * H)),
        'clique_b1': jnp.zeros((L, 2 * H), jnp.float32),
        'clique_g1': jnp.ones((L, 2 * H), jnp.float32),
        'clique_be1': jnp.zeros((L, 2 * H), jnp.float32),
        'clique_W2': nrm(ks[14], (L, 2 * H, H)),
        'clique_b2': jnp.zeros((L, H), jnp.float32),
        'clique_bn_g': jnp.ones((L, H), jnp.float32),
        'clique_bn_b': jnp.zeros((L, H), jnp.float32),
        'a2c_W': nrm(ks[15], (L, H, H)),
        'a2c_b': jnp.zeros((L, H), jnp.float32),
        'c2a_W': nrm(ks[16], (L, H, H)),
        'c2a_b': jnp.zeros((L, H), jnp.float32),
        'atom_lin_W': nrm(ks[17], (H, H)),
        'atom_lin_b': jnp.zeros((H,), jnp.float32),
        'clique_lin_W': nrm(ks[18], (H, H)),
        'clique_lin_b': jnp.zeros((H,), jnp.float32),
        'lin_W': nrm(ks[19], (H, OUT)),
        'lin_b': jnp.zeros((OUT,), jnp.float32),
    }
    return {'x': x, 'edge_index': edge_index, 'edge_attr': edge_attr, 'x_clique': x_clique,
            'atom2clique_index': atom2clique_index, 'tree_edge_index': tree_edge_index,
            'batch': batch, 'num_cliques': num_cliques, 'params': params}


def _forward(p, x, edge_index, edge_attr, x_clique, atom2clique_index, tree_edge_index, batch, num_cliques):
    # AtomEncoder: sum of 9 embedding lookups
    h = jnp.zeros((N, H), jnp.float32)
    for j in range(9):
        h = h + p['atom_emb'][j][x[:, j]]
    # clique encoder
    hc = p['clique_emb'][x_clique]
    row, col = edge_index[0], edge_index[1]
    arow, acol = atom2clique_index[0], atom2clique_index[1]
    trow, tcol = tree_edge_index[0], tree_edge_index[1]
    for i in range(L):
        # BondEncoder: sum of 3 embedding lookups
        ea = jnp.zeros((E, H), jnp.float32)
        for j in range(3):
            ea = ea + p['bond_emb'][i, j][edge_attr[:, j]]
        # GINEConv: sum_{j->i} relu(x_j + e_ji), then nn((1+eps)x + agg)
        m = jax.nn.relu(h[row] + ea)
        agg = jax.ops.segment_sum(m, col, num_segments=N)
        h = _mlp((1.0 + p['atom_eps'][i]) * h + agg,
                 p['atom_W1'][i], p['atom_b1'][i], p['atom_g1'][i], p['atom_be1'][i],
                 p['atom_W2'][i], p['atom_b2'][i])
        h = _bn(h, p['atom_bn_g'][i], p['atom_bn_b'][i])
        h = jax.nn.relu(h)
        # atom -> clique (scatter mean)
        mean_ac = _seg_mean(h[arow], acol, NC)
        hc = hc + jax.nn.relu(mean_ac @ p['a2c_W'][i] + p['a2c_b'][i])
        # GINConv on clique tree
        aggc = jax.ops.segment_sum(hc[trow], tcol, num_segments=NC)
        hc = _mlp((1.0 + p['clique_eps'][i]) * hc + aggc,
                  p['clique_W1'][i], p['clique_b1'][i], p['clique_g1'][i], p['clique_be1'][i],
                  p['clique_W2'][i], p['clique_b2'][i])
        hc = _bn(hc, p['clique_bn_g'][i], p['clique_bn_b'][i])
        hc = jax.nn.relu(hc)
        # clique -> atom (scatter mean)
        mean_ca = _seg_mean(hc[acol], arow, N)
        h = h + jax.nn.relu(mean_ca @ p['c2a_W'][i] + p['c2a_b'][i])
    # graph readout
    xg = _seg_mean(h, batch, G)
    xg = xg @ p['atom_lin_W'] + p['atom_lin_b']
    tree_batch = jnp.repeat(jnp.arange(G), num_cliques, total_repeat_length=NC)
    xc = _seg_mean(hc, tree_batch, G)
    xc = xc @ p['clique_lin_W'] + p['clique_lin_b']
    out = jax.nn.relu(xg + xc) @ p['lin_W'] + p['lin_b']
    return out


def reference(x, edge_index, edge_attr, x_clique, atom2clique_index, tree_edge_index, batch, num_cliques, params):
    return _forward(params, x, edge_index, edge_attr, x_clique, atom2clique_index, tree_edge_index, batch, num_cliques)

if __name__ == "__main__":
    import jax
    _d = setup_inputs()
    print(jax.jit(kernel)(*tuple(_d.values())))

</pallas_src>

<mosaic_0001>
#map = affine_map<(d0, d1) -> (0, 0)>
#map1 = affine_map<(d0, d1) -> (0)>
module attributes {stable_mosaic.version = 14 : i64} {
  func.func @k(%arg0: i32, %arg1: i32, %arg2: memref<900x128xf32, #tpu.memory_space<hbm>>, %arg3: memref<92160xi32, #tpu.memory_space<hbm>>, %arg4: memref<92160xi32, #tpu.memory_space<hbm>>, %arg5: memref<20480x128xf32, #tpu.memory_space<hbm>>, %arg6: memref<80xi32, #tpu.memory_space<vmem>>, %arg7: memref<80xi32, #tpu.memory_space<vmem>>, %arg8: memref<80x128xf32, #tpu.memory_space<vmem>>, %arg9: memref<16x128xf32, #tpu.memory_space<vmem>>, %arg10: memref<10240x128xf32, #tpu.memory_space<vmem_shared>>, %arg11: memref<!tpu.dma_semaphore, #tpu.memory_space<semaphore_mem>>) attributes {dimension_semantics = [#tpu.dimension_semantics<core_parallel>, #tpu.dimension_semantics<subcore_parallel>], iteration_bounds = array<i64: 2, 16>, scalar_prefetch = 0 : i64, scratch_operands = 6 : i64, tpu.core_type = #tpu.core_type<sc_vector_subcore>, window_params = [{transform_indices = #map}, {transform_indices = #map1}, {transform_indices = #map1}, {transform_indices = #map}]} {
    %mul3A = arith.constant 16 : i32
    %mul3A_0 = arith.muli %arg0, %mul3A : i32
    %add3A = arith.addi %mul3A_0, %arg1 : i32
    %broadcast_in_dim3A = arith.constant 0.000000e+00 : f32
    %broadcast_in_dim3A_1 = vector.broadcast %broadcast_in_dim3A : f32 to vector<16xf32>
    %swap3A = arith.constant 0 : i32
    %swap3A_2 = arith.index_cast %swap3A : i32 to index
    %swap3A_3 = arith.constant 0 : index
    %swap3A_4 = tpu.vector_load %arg9[%swap3A_2, %swap3A_3] {strides = array<i32>} : memref<16x128xf32, #tpu.memory_space<vmem>>, vector<1x16xf32>,
    %swap3A_5 = vector.shape_cast %swap3A_4 : vector<1x16xf32> to vector<16xf32>
    %swap3A_6 = vector.shape_cast %broadcast_in_dim3A_1 : vector<16xf32> to vector<1x16xf32>
    tpu.vector_store %arg9[%swap3A_2, %swap3A_3], %swap3A_6 {strides = array<i32>} : memref<16x128xf32, #tpu.memory_space<vmem>>, vector<1x16xf32>,
    %swap3A_7 = arith.constant 0 : i32
    %swap3A_8 = arith.index_cast %swap3A_7 : i32 to index
    %swap3A_9 = arith.constant 16 : index
    %swap3A_10 = tpu.vector_load %arg9[%swap3A_8, %swap3A_9] {strides = array<i32>} : memref<16x128xf32, #tpu.memory_space<vmem>>, vector<1x16xf32>,
    %swap3A_11 = vector.shape_cast %swap3A_10 : vector<1x16xf32> to vector<16xf32>
    %swap3A_12 = vector.shape_cast %broadcast_in_dim3A_1 : vector<16xf32> to vector<1x16xf32>
    tpu.vector_store %arg9[%swap3A_8, %swap3A_9], %swap3A_12 {strides = array<i32>} : memref<16x128xf32, #tpu.memory_space<vmem>>, vector<1x16xf32>,
    %swap3A_13 = arith.constant 0 : i32
    %swap3A_14 = arith.index_cast %swap3A_13 : i32 to index
    %swap3A_15 = arith.constant 32 : index
    %swap3A_16 = tpu.vector_load %arg9[%swap3A_14, %swap3A_15] {strides = array<i32>} : memref<16x128xf32, #tpu.memory_space<vmem>>, vector<1x16xf32>,
    %swap3A_17 = vector.shape_cast %swap3A_16 : vector<1x16xf32> to vector<16xf32>
    %swap3A_18 = vector.shape_cast %broadcast_in_dim3A_1 : vector<16xf32> to vector<1x16xf32>
    tpu.vector_store %arg9[%swap3A_14, %swap3A_15], %swap3A_18 {strides = array<i32>} : memref<16x128xf32, #tpu.memory_space<vmem>>, vector<1x16xf32>,
    %swap3A_19 = arith.constant 0 : i32
    %swap3A_20 = arith.index_cast %swap3A_19 : i32 to index
    %swap3A_21 = arith.constant 48 : index
    %swap3A_22 = tpu.vector_load %arg9[%swap3A_20, %swap3A_21] {strides = array<i32>} : memref<16x128xf32, #tpu.memory_space<vmem>>, vector<1x16xf32>,
    %swap3A_23 = vector.shape_cast %swap3A_22 : vector<1x16xf32> to vector<16xf32>
    %swap3A_24 = vector.shape_cast %broadcast_in_dim3A_1 : vector<16xf32> to vector<1x16xf32>
    tpu.vector_store %arg9[%swap3A_20, %swap3A_21], %swap3A_24 {strides = array<i32>} : memref<16x128xf32, #tpu.memory_space<vmem>>, vector<1x16xf32>,
    %swap3A_25 = arith.constant 0 : i32
    %swap3A_26 = arith.index_cast %swap3A_25 : i32 to index
    %swap3A_27 = arith.constant 64 : index
    %swap3A_28 = tpu.vector_load %arg9[%swap3A_26, %swap3A_27] {strides = array<i32>} : memref<16x128xf32, #tpu.memory_space<vmem>>, vector<1x16xf32>,
    %swap3A_29 = vector.shape_cast %swap3A_28 : vector<1x16xf32> to vector<16xf32>
    %swap3A_30 = vector.shape_cast %broadcast_in_dim3A_1 : vector<16xf32> to vector<1x16xf32>
    tpu.vector_store %arg9[%swap3A_26, %swap3A_27], %swap3A_30 {strides = array<i32>} : memref<16x128xf32, #tpu.memory_space<vmem>>, vector<1x16xf32>,
    %swap3A_31 = arith.constant 0 : i32
    %swap3A_32 = arith.index_cast %swap3A_31 : i32 to index
    %swap3A_33 = arith.constant 80 : index
    %swap3A_34 = tpu.vector_load %arg9[%swap3A_32, %swap3A_33] {strides = array<i32>} : memref<16x128xf32, #tpu.memory_space<vmem>>, vector<1x16xf32>,
    %swap3A_35 = vector.shape_cast %swap3A_34 : vector<1x16xf32> to vector<16xf32>
    %swap3A_36 = vector.shape_cast %broadcast_in_dim3A_1 : vector<16xf32> to vector<1x16xf32>
    tpu.vector_store %arg9[%swap3A_32, %swap3A_33], %swap3A_36 {strides = array<i32>} : memref<16x128xf32, #tpu.memory_space<vmem>>, vector<1x16xf32>,
    %swap3A_37 = arith.constant 0 : i32
    %swap3A_38 = arith.index_cast %swap3A_37 : i32 to index
    %swap3A_39 = arith.constant 96 : index
    %swap3A_40 = tpu.vector_load %arg9[%swap3A_38, %swap3A_39] {strides = array<i32>} : memref<16x128xf32, #tpu.memory_space<vmem>>, vector<1x16xf32>,
    %swap3A_41 = vector.shape_cast %swap3A_40 : vector<1x16xf32> to vector<16xf32>
    %swap3A_42 = vector.shape_cast %broadcast_in_dim3A_1 : vector<16xf32> to vector<1x16xf32>
    tpu.vector_store %arg9[%swap3A_38, %swap3A_39], %swap3A_42 {strides = array<i32>} : memref<16x128xf32, #tpu.memory_space<vmem>>, vector<1x16xf32>,
    %swap3A_43 = arith.constant 0 : i32
    %swap3A_44 = arith.index_cast %swap3A_43 : i32 to index
    %swap3A_45 = arith.constant 112 : index
    %swap3A_46 = tpu.vector_load %arg9[%swap3A_44, %swap3A_45] {strides = array<i32>} : memref<16x128xf32, #tpu.memory_space<vmem>>, vector<1x16xf32>,
    %swap3A_47 = vector.shape_cast %swap3A_46 : vector<1x16xf32> to vector<16xf32>
    %swap3A_48 = vector.shape_cast %broadcast_in_dim3A_1 : vector<16xf32> to vector<1x16xf32>
    tpu.vector_store %arg9[%swap3A_44, %swap3A_45], %swap3A_48 {strides = array<i32>} : memref<16x128xf32, #tpu.memory_space<vmem>>, vector<1x16xf32>,
    %swap3A_49 = arith.constant 1 : i32
    %swap3A_50 = arith.index_cast %swap3A_49 : i32 to index
    %swap3A_51 = arith.constant 0 : index
    %swap3A_52 = tpu.vector_load %arg9[%swap3A_50, %swap3A_51] {strides = array<i32>} : memref<16x128xf32, #tpu.memory_space<vmem>>, vector<1x16xf32>,
    %swap3A_53 = vector.shape_cast %swap3A_52 : vector<1x16xf32> to vector<16xf32>
    %swap3A_54 = vector.shape_cast %broadcast_in_dim3A_1 : vector<16xf32> to vector<1x16xf32>
    tpu.vector_store %arg9[%swap3A_50, %swap3A_51], %swap3A_54 {strides = array<i32>} : memref<16x128xf32, #tpu.memory_space<vmem>>, vector<1x16xf32>,
    %swap3A_55 = arith.constant 1 : i32
    %swap3A_56 = arith.index_cast %swap3A_55 : i32 to index
    %swap3A_57 = arith.constant 16 : index
    %swap3A_58 = tpu.vector_load %arg9[%swap3A_56, %swap3A_57] {strides = array<i32>} : memref<16x128xf32, #tpu.memory_space<vmem>>, vector<1x16xf32>,
    %swap3A_59 = vector.shape_cast %swap3A_58 : vector<1x16xf32> to vector<16xf32>
    %swap3A_60 = vector.shape_cast %broadcast_in_dim3A_1 : vector<16xf32> to vector<1x16xf32>
    tpu.vector_store %arg9[%swap3A_56, %swap3A_57], %swap3A_60 {strides = array<i32>} : memref<16x128xf32, #tpu.memory_space<vmem>>, vector<1x16xf32>,
    %swap3A_61 = arith.constant 1 : i32
    %swap3A_62 = arith.index_cast %swap3A_61 : i32 to index
    %swap3A_63 = arith.constant 32 : index
    %swap3A_64 = tpu.vector_load %arg9[%swap3A_62, %swap3A_63] {strides = array<i32>} : memref<16x128xf32, #tpu.memory_space<vmem>>, vector<1x16xf32>,
    %swap3A_65 = vector.shape_cast %swap3A_64 : vector<1x16xf32> to vector<16xf32>
    %swap3A_66 = vector.shape_cast %broadcast_in_dim3A_1 : vector<16xf32> to vector<1x16xf32>
    tpu.vector_store %arg9[%swap3A_62, %swap3A_63], %swap3A_66 {strides = array<i32>} : memref<16x128xf32, #tpu.memory_space<vmem>>, vector<1x16xf32>,
    %swap3A_67 = arith.constant 1 : i32
    %swap3A_68 = arith.index_cast %swap3A_67 : i32 to index
    %swap3A_69 = arith.constant 48 : index
    %swap3A_70 = tpu.vector_load %arg9[%swap3A_68, %swap3A_69] {strides = array<i32>} : memref<16x128xf32, #tpu.memory_space<vmem>>, vector<1x16xf32>,
    %swap3A_71 = vector.shape_cast %swap3A_70 : vector<1x16xf32> to vector<16xf32>
    %swap3A_72 = vector.shape_cast %broadcast_in_dim3A_1 : vector<16xf32> to vector<1x16xf32>
    tpu.vector_store %arg9[%swap3A_68, %swap3A_69], %swap3A_72 {strides = array<i32>} : memref<16x128xf32, #tpu.memory_space<vmem>>, vector<1x16xf32>,
    %swap3A_73 = arith.constant 1 : i32
    %swap3A_74 = arith.index_cast %swap3A_73 : i32 to index
    %swap3A_75 = arith.constant 64 : index
    %swap3A_76 = tpu.vector_load %arg9[%swap3A_74, %swap3A_75] {strides = array<i32>} : memref<16x128xf32, #tpu.memory_space<vmem>>, vector<1x16xf32>,
    %swap3A_77 = vector.shape_cast %swap3A_76 : vector<1x16xf32> to vector<16xf32>
    %swap3A_78 = vector.shape_cast %broadcast_in_dim3A_1 : vector<16xf32> to vector<1x16xf32>
    tpu.vector_store %arg9[%swap3A_74, %swap3A_75], %swap3A_78 {strides = array<i32>} : memref<16x128xf32, #tpu.memory_space<vmem>>, vector<1x16xf32>,
    %swap3A_79 = arith.constant 1 : i32
    %swap3A_80 = arith.index_cast %swap3A_79 : i32 to index
    %swap3A_81 = arith.constant 80 : index
    %swap3A_82 = tpu.vector_load %arg9[%swap3A_80, %swap3A_81] {strides = array<i32>} : memref<16x128xf32, #tpu.memory_space<vmem>>, vector<1x16xf32>,
    %swap3A_83 = vector.shape_cast %swap3A_82 : vector<1x16xf32> to vector<16xf32>
    %swap3A_84 = vector.shape_cast %broadcast_in_dim3A_1 : vector<16xf32> to vector<1x16xf32>
    tpu.vector_store %arg9[%swap3A_80, %swap3A_81], %swap3A_84 {strides = array<i32>} : memref<16x128xf32, #tpu.memory_space<vmem>>, vector<1x16xf32>,
    %swap3A_85 = arith.constant 1 : i32
    %swap3A_86 = arith.index_cast %swap3A_85 : i32 to index
    %swap3A_87 = arith.constant 96 : index
    %swap3A_88 = tpu.vector_load %arg9[%swap3A_86, %swap3A_87] {strides = array<i32>} : memref<16x128xf32, #tpu.memory_space<vmem>>, vector<1x16xf32>,
    %swap3A_89 = vector.shape_cast %swap3A_88 : vector<1x16xf32> to vector<16xf32>
    %swap3A_90 = vector.shape_cast %broadcast_in_dim3A_1 : vector<16xf32> to vector<1x16xf32>
    tpu.vector_store %arg9[%swap3A_86, %swap3A_87], %swap3A_90 {strides = array<i32>} : memref<16x128xf32, #tpu.memory_space<vmem>>, vector<1x16xf32>,
    %swap3A_91 = arith.constant 1 : i32
    %swap3A_92 = arith.index_cast %swap3A_91 : i32 to index
    %swap3A_93 = arith.constant 112 : index
    %swap3A_94 = tpu.vector_load %arg9[%swap3A_92, %swap3A_93] {strides = array<i32>} : memref<16x128xf32, #tpu.memory_space<vmem>>, vector<1x16xf32>,
    %swap3A_95 = vector.shape_cast %swap3A_94 : vector<1x16xf32> to vector<16xf32>
    %swap3A_96 = vector.shape_cast %broadcast_in_dim3A_1 : vector<16xf32> to vector<1x16xf32>
    tpu.vector_store %arg9[%swap3A_92, %swap3A_93], %swap3A_96 {strides = array<i32>} : memref<16x128xf32, #tpu.memory_space<vmem>>, vector<1x16xf32>,
    %swap3A_97 = arith.constant 2 : i32
    %swap3A_98 = arith.index_cast %swap3A_97 : i32 to index
    %swap3A_99 = arith.constant 0 : index
    %swap3A_100 = tpu.vector_load %arg9[%swap3A_98, %swap3A_99] {strides = array<i32>} : memref<16x128xf32, #tpu.memory_space<vmem>>, vector<1x16xf32>,
    %swap3A_101 = vector.shape_cast %swap3A_100 : vector<1x16xf32> to vector<16xf32>
    %swap3A_102 = vector.shape_cast %broadcast_in_dim3A_1 : vector<16xf32> to vector<1x16xf32>
    tpu.vector_store %arg9[%swap3A_98, %swap3A_99], %swap3A_102 {strides = array<i32>} : memref<16x128xf32, #tpu.memory_space<vmem>>, vector<1x16xf32>,
    %swap3A_103 = arith.constant 2 : i32
    %swap3A_104 = arith.index_cast %swap3A_103 : i32 to index
    %swap3A_105 = arith.constant 16 : index
    %swap3A_106 = tpu.vector_load %arg9[%swap3A_104, %swap3A_105] {strides = array<i32>} : memref<16x128xf32, #tpu.memory_space<vmem>>, vector<1x16xf32>,
    %swap3A_107 = vector.shape_cast %swap3A_106 : vector<1x16xf32> to vector<16xf32>
    %swap3A_108 = vector.shape_cast %broadcast_in_dim3A_1 : vector<16xf32> to vector<1x16xf32>
    tpu.vector_store %arg9[%swap3A_104, %swap3A_105], %swap3A_108 {strides = array<i32>} : memref<16x128xf32, #tpu.memory_space<vmem>>, vector<1x16xf32>,
    %swap3A_109 = arith.constant 2 : i32
    %swap3A_110 = arith.index_cast %swap3A_109 : i32 to index
    %swap3A_111 = arith.constant 32 : index
    %swap3A_112 = tpu.vector_load %arg9[%swap3A_110, %swap3A_111] {strides = array<i32>} : memref<16x128xf32, #tpu.memory_space<vmem>>, vector<1x16xf32>,
    %swap3A_113 = vector.shape_cast %swap3A_112 : vector<1x16xf32> to vector<16xf32>
    %swap3A_114 = vector.shape_cast %broadcast_in_dim3A_1 : vector<16xf32> to vector<1x16xf32>
    tpu.vector_store %arg9[%swap3A_110, %swap3A_111], %swap3A_114 {strides = array<i32>} : memref<16x128xf32, #tpu.memory_space<vmem>>, vector<1x16xf32>,
    %swap3A_115 = arith.constant 2 : i32
    %swap3A_116 = arith.index_cast %swap3A_115 : i32 to index
    %swap3A_117 = arith.constant 48 : index
    %swap3A_118 = tpu.vector_load %arg9[%swap3A_116, %swap3A_117] {strides = array<i32>} : memref<16x128xf32, #tpu.memory_space<vmem>>, vector<1x16xf32>,
    %swap3A_119 = vector.shape_cast %swap3A_118 : vector<1x16xf32> to vector<16xf32>
    %swap3A_120 = vector.shape_cast %broadcast_in_dim3A_1 : vector<16xf32> to vector<1x16xf32>
    tpu.vector_store %arg9[%swap3A_116, %swap3A_117], %swap3A_120 {strides = array<i32>} : memref<16x128xf32, #tpu.memory_space<vmem>>, vector<1x16xf32>,
    %swap3A_121 = arith.constant 2 : i32
    %swap3A_122 = arith.index_cast %swap3A_121 : i32 to index
    %swap3A_123 = arith.constant 64 : index
    %swap3A_124 = tpu.vector_load %arg9[%swap3A_122, %swap3A_123] {strides = array<i32>} : memref<16x128xf32, #tpu.memory_space<vmem>>, vector<1x16xf32>,
    %swap3A_125 = vector.shape_cast %swap3A_124 : vector<1x16xf32> to vector<16xf32>
    %swap3A_126 = vector.shape_cast %broadcast_in_dim3A_1 : vector<16xf32> to vector<1x16xf32>
    tpu.vector_store %arg9[%swap3A_122, %swap3A_123], %swap3A_126 {strides = array<i32>} : memref<16x128xf32, #tpu.memory_space<vmem>>, vector<1x16xf32>,
    %swap3A_127 = arith.constant 2 : i32
    %swap3A_128 = arith.index_cast %swap3A_127 : i32 to index
    %swap3A_129 = arith.constant 80 : index
    %swap3A_130 = tpu.vector_load %arg9[%swap3A_128, %swap3A_129] {strides = array<i32>} : memref<16x128xf32, #tpu.memory_space<vmem>>, vector<1x16xf32>,
    %swap3A_131 = vector.shape_cast %swap3A_130 : vector<1x16xf32> to vector<16xf32>
    %swap3A_132 = vector.shape_cast %broadcast_in_dim3A_1 : vector<16xf32> to vector<1x16xf32>
    tpu.vector_store %arg9[%swap3A_128, %swap3A_129], %swap3A_132 {strides = array<i32>} : memref<16x128xf32, #tpu.memory_space<vmem>>, vector<1x16xf32>,
    %swap3A_133 = arith.constant 2 : i32
    %swap3A_134 = arith.index_cast %swap3A_133 : i32 to index
    %swap3A_135 = arith.constant 96 : index
    %swap3A_136 = tpu.vector_load %arg9[%swap3A_134, %swap3A_135] {strides = array<i32>} : memref<16x128xf32, #tpu.memory_space<vmem>>, vector<1x16xf32>,
    %swap3A_137 = vector.shape_cast %swap3A_136 : vector<1x16xf32> to vector<16xf32>
    %swap3A_138 = vector.shape_cast %broadcast_in_dim3A_1 : vector<16xf32> to vector<1x16xf32>
    tpu.vector_store %arg9[%swap3A_134, %swap3A_135], %swap3A_138 {strides = array<i32>} : memref<16x128xf32, #tpu.memory_space<vmem>>, vector<1x16xf32>,
    %swap3A_139 = arith.constant 2 : i32
    %swap3A_140 = arith.index_cast %swap3A_139 : i32 to index
    %swap3A_141 = arith.constant 112 : index
    %swap3A_142 = tpu.vector_load %arg9[%swap3A_140, %swap3A_141] {strides = array<i32>} : memref<16x128xf32, #tpu.memory_space<vmem>>, vector<1x16xf32>,
    %swap3A_143 = vector.shape_cast %swap3A_142 : vector<1x16xf32> to vector<16xf32>
    %swap3A_144 = vector.shape_cast %broadcast_in_dim3A_1 : vector<16xf32> to vector<1x16xf32>
    tpu.vector_store %arg9[%swap3A_140, %swap3A_141], %swap3A_144 {strides = array<i32>} : memref<16x128xf32, #tpu.memory_space<vmem>>, vector<1x16xf32>,
    %swap3A_145 = arith.constant 3 : i32
    %swap3A_146 = arith.index_cast %swap3A_145 : i32 to index
    %swap3A_147 = arith.constant 0 : index
    %swap3A_148 = tpu.vector_load %arg9[%swap3A_146, %swap3A_147] {strides = array<i32>} : memref<16x128xf32, #tpu.memory_space<vmem>>, vector<1x16xf32>,
    %swap3A_149 = vector.shape_cast %swap3A_148 : vector<1x16xf32> to vector<16xf32>
    %swap3A_150 = vector.shape_cast %broadcast_in_dim3A_1 : vector<16xf32> to vector<1x16xf32>
    tpu.vector_store %arg9[%swap3A_146, %swap3A_147], %swap3A_150 {strides = array<i32>} : memref<16x128xf32, #tpu.memory_space<vmem>>, vector<1x16xf32>,
    %swap3A_151 = arith.constant 3 : i32
    %swap3A_152 = arith.index_cast %swap3A_151 : i32 to index
    %swap3A_153 = arith.constant 16 : index
    %swap3A_154 = tpu.vector_load %arg9[%swap3A_152, %swap3A_153] {strides = array<i32>} : memref<16x128xf32, #tpu.memory_space<vmem>>, vector<1x16xf32>,
    %swap3A_155 = vector.shape_cast %swap3A_154 : vector<1x16xf32> to vector<16xf32>
    %swap3A_156 = vector.shape_cast %broadcast_in_dim3A_1 : vector<16xf32> to vector<1x16xf32>
    tpu.vector_store %arg9[%swap3A_152, %swap3A_153], %swap3A_156 {strides = array<i32>} : memref<16x128xf32, #tpu.memory_space<vmem>>, vector<1x16xf32>,
    %swap3A_157 = arith.constant 3 : i32
    %swap3A_158 = arith.index_cast %swap3A_157 : i32 to index
    %swap3A_159 = arith.constant 32 : index
    %swap3A_160 = tpu.vector_load %arg9[%swap3A_158, %swap3A_159] {strides = array<i32>} : memref<16x128xf32, #tpu.memory_space<vmem>>, vector<1x16xf32>,
    %swap3A_161 = vector.shape_cast %swap3A_160 : vector<1x16xf32> to vector<16xf32>
    %swap3A_162 = vector.shape_cast %broadcast_in_dim3A_1 : vector<16xf32> to vector<1x16xf32>
    tpu.vector_store %arg9[%swap3A_158, %swap3A_159], %swap3A_162 {strides = array<i32>} : memref<16x128xf32, #tpu.memory_space<vmem>>, vector<1x16xf32>,
    %swap3A_163 = arith.constant 3 : i32
    %swap3A_164 = arith.index_cast %swap3A_163 : i32 to index
    %swap3A_165 = arith.constant 48 : index
    %swap3A_166 = tpu.vector_load %arg9[%swap3A_164, %swap3A_165] {strides = array<i32>} : memref<16x128xf32, #tpu.memory_space<vmem>>, vector<1x16xf32>,
    %swap3A_167 = vector.shape_cast %swap3A_166 : vector<1x16xf32> to vector<16xf32>
    %swap3A_168 = vector.shape_cast %broadcast_in_dim3A_1 : vector<16xf32> to vector<1x16xf32>
    tpu.vector_store %arg9[%swap3A_164, %swap3A_165], %swap3A_168 {strides = array<i32>} : memref<16x128xf32, #tpu.memory_space<vmem>>, vector<1x16xf32>,
    %swap3A_169 = arith.constant 3 : i32
    %swap3A_170 = arith.index_cast %swap3A_169 : i32 to index
    %swap3A_171 = arith.constant 64 : index
    %swap3A_172 = tpu.vector_load %arg9[%swap3A_170, %swap3A_171] {strides = array<i32>} : memref<16x128xf32, #tpu.memory_space<vmem>>, vector<1x16xf32>,
    %swap3A_173 = vector.shape_cast %swap3A_172 : vector<1x16xf32> to vector<16xf32>
    %swap3A_174 = vector.shape_cast %broadcast_in_dim3A_1 : vector<16xf32> to vector<1x16xf32>
    tpu.vector_store %arg9[%swap3A_170, %swap3A_171], %swap3A_174 {strides = array<i32>} : memref<16x128xf32, #tpu.memory_space<vmem>>, vector<1x16xf32>,
    %swap3A_175 = arith.constant 3 : i32
    %swap3A_176 = arith.index_cast %swap3A_175 : i32 to index
    %swap3A_177 = arith.constant 80 : index
    %swap3A_178 = tpu.vector_load %arg9[%swap3A_176, %swap3A_177] {strides = array<i32>} : memref<16x128xf32, #tpu.memory_space<vmem>>, vector<1x16xf32>,
    %swap3A_179 = vector.shape_cast %swap3A_178 : vector<1x16xf32> to vector<16xf32>
    %swap3A_180 = vector.shape_cast %broadcast_in_dim3A_1 : vector<16xf32> to vector<1x16xf32>
    tpu.vector_store %arg9[%swap3A_176, %swap3A_177], %swap3A_180 {strides = array<i32>} : memref<16x128xf32, #tpu.memory_space<vmem>>, vector<1x16xf32>,
    %swap3A_181 = arith.constant 3 : i32
    %swap3A_182 = arith.index_cast %swap3A_181 : i32 to index
    %swap3A_183 = arith.constant 96 : index
    %swap3A_184 = tpu.vector_load %arg9[%swap3A_182, %swap3A_183] {strides = array<i32>} : memref<16x128xf32, #tpu.memory_space<vmem>>, vector<1x16xf32>,
    %swap3A_185 = vector.shape_cast %swap3A_184 : vector<1x16xf32> to vector<16xf32>
    %swap3A_186 = vector.shape_cast %broadcast_in_dim3A_1 : vector<16xf32> to vector<1x16xf32>
    tpu.vector_store %arg9[%swap3A_182, %swap3A_183], %swap3A_186 {strides = array<i32>} : memref<16x128xf32, #tpu.memory_space<vmem>>, vector<1x16xf32>,
    %swap3A_187 = arith.constant 3 : i32
    %swap3A_188 = arith.index_cast %swap3A_187 : i32 to index
    %swap3A_189 = arith.constant 112 : index
    %swap3A_190 = tpu.vector_load %arg9[%swap3A_188, %swap3A_189] {strides = array<i32>} : memref<16x128xf32, #tpu.memory_space<vmem>>, vector<1x16xf32>,
    %swap3A_191 = vector.shape_cast %swap3A_190 : vector<1x16xf32> to vector<16xf32>
    %swap3A_192 = vector.shape_cast %broadcast_in_dim3A_1 : vector<16xf32> to vector<1x16xf32>
    tpu.vector_store %arg9[%swap3A_188, %swap3A_189], %swap3A_192 {strides = array<i32>} : memref<16x128xf32, #tpu.memory_space<vmem>>, vector<1x16xf32>,
    %swap3A_193 = arith.constant 4 : i32
    %swap3A_194 = arith.index_cast %swap3A_193 : i32 to index
    %swap3A_195 = arith.constant 0 : index
    %swap3A_196 = tpu.vector_load %arg9[%swap3A_194, %swap3A_195] {strides = array<i32>} : memref<16x128xf32, #tpu.memory_space<vmem>>, vector<1x16xf32>,
    %swap3A_197 = vector.shape_cast %swap3A_196 : vector<1x16xf32> to vector<16xf32>
    %swap3A_198 = vector.shape_cast %broadcast_in_dim3A_1 : vector<16xf32> to vector<1x16xf32>
    tpu.vector_store %arg9[%swap3A_194, %swap3A_195], %swap3A_198 {strides = array<i32>} : memref<16x128xf32, #tpu.memory_space<vmem>>, vector<1x16xf32>,
    %swap3A_199 = arith.constant 4 : i32
    %swap3A_200 = arith.index_cast %swap3A_199 : i32 to index
    %swap3A_201 = arith.constant 16 : index
    %swap3A_202 = tpu.vector_load %arg9[%swap3A_200, %swap3A_201] {strides = array<i32>} : memref<16x128xf32, #tpu.memory_space<vmem>>, vector<1x16xf32>,
    %swap3A_203 = vector.shape_cast %swap3A_202 : vector<1x16xf32> to vector<16xf32>
    %swap3A_204 = vector.shape_cast %broadcast_in_dim3A_1 : vector<16xf32> to vector<1x16xf32>
    tpu.vector_store %arg9[%swap3A_200, %swap3A_201], %swap3A_204 {strides = array<i32>} : memref<16x128xf32, #tpu.memory_space<vmem>>, vector<1x16xf32>,
    %swap3A_205 = arith.constant 4 : i32
    %swap3A_206 = arith.index_cast %swap3A_205 : i32 to index
    %swap3A_207 = arith.constant 32 : index
    %swap3A_208 = tpu.vector_load %arg9[%swap3A_206, %swap3A_207] {strides = array<i32>} : memref<16x128xf32, #tpu.memory_space<vmem>>, vector<1x16xf32>,
    %swap3A_209 = vector.shape_cast %swap3A_208 : vector<1x16xf32> to vector<16xf32>
    %swap3A_210 = vector.shape_cast %broadcast_in_dim3A_1 : vector<16xf32> to vector<1x16xf32>
    tpu.vector_store %arg9[%swap3A_206, %swap3A_207], %swap3A_210 {strides = array<i32>} : memref<16x128xf32, #tpu.memory_space<vmem>>, vector<1x16xf32>,
    %swap3A_211 = arith.constant 4 : i32
    %swap3A_212 = arith.index_cast %swap3A_211 : i32 to index
    %swap3A_213 = arith.constant 48 : index
    %swap3A_214 = tpu.vector_load %arg9[%swap3A_212, %swap3A_213] {strides = array<i32>} : memref<16x128xf32, #tpu.memory_space<vmem>>, vector<1x16xf32>,
    %swap3A_215 = vector.shape_cast %swap3A_214 : vector<1x16xf32> to vector<16xf32>
    %swap3A_216 = vector.shape_cast %broadcast_in_dim3A_1 : vector<16xf32> to vector<1x16xf32>
    tpu.vector_store %arg9[%swap3A_212, %swap3A_213], %swap3A_216 {strides = array<i32>} : memref<16x128xf32, #tpu.memory_space<vmem>>, vector<1x16xf32>,
    %swap3A_217 = arith.constant 4 : i32
    %swap3A_218 = arith.index_cast %swap3A_217 : i32 to index
    %swap3A_219 = arith.constant 64 : index
    %swap3A_220 = tpu.vector_load %arg9[%swap3A_218, %swap3A_219] {strides = array<i32>} : memref<16x128xf32, #tpu.memory_space<vmem>>, vector<1x16xf32>,
    %swap3A_221 = vector.shape_cast %swap3A_220 : vector<1x16xf32> to vector<16xf32>
    %swap3A_222 = vector.shape_cast %broadcast_in_dim3A_1 : vector<16xf32> to vector<1x16xf32>
    tpu.vector_store %arg9[%swap3A_218, %swap3A_219], %swap3A_222 {strides = array<i32>} : memref<16x128xf32, #tpu.memory_space<vmem>>, vector<1x16xf32>,
    %swap3A_223 = arith.constant 4 : i32
    %swap3A_224 = arith.index_cast %swap3A_223 : i32 to index
    %swap3A_225 = arith.constant 80 : index
    %swap3A_226 = tpu.vector_load %arg9[%swap3A_224, %swap3A_225] {strides = array<i32>} : memref<16x128xf32, #tpu.memory_space<vmem>>, vector<1x16xf32>,
    %swap3A_227 = vector.shape_cast %swap3A_226 : vector<1x16xf32> to vector<16xf32>
    %swap3A_228 = vector.shape_cast %broadcast_in_dim3A_1 : vector<16xf32> to vector<1x16xf32>
    tpu.vector_store %arg9[%swap3A_224, %swap3A_225], %swap3A_228 {strides = array<i32>} : memref<16x128xf32, #tpu.memory_space<vmem>>, vector<1x16xf32>,
    %swap3A_229 = arith.constant 4 : i32
    %swap3A_230 = arith.index_cast %swap3A_229 : i32 to index
    %swap3A_231 = arith.constant 96 : index
    %swap3A_232 = tpu.vector_load %arg9[%swap3A_230, %swap3A_231] {strides = array<i32>} : memref<16x128xf32, #tpu.memory_space<vmem>>, vector<1x16xf32>,
    %swap3A_233 = vector.shape_cast %swap3A_232 : vector<1x16xf32> to vector<16xf32>
    %swap3A_234 = vector.shape_cast %broadcast_in_dim3A_1 : vector<16xf32> to vector<1x16xf32>
    tpu.vector_store %arg9[%swap3A_230, %swap3A_231], %swap3A_234 {strides = array<i32>} : memref<16x128xf32, #tpu.memory_space<vmem>>, vector<1x16xf32>,
    %swap3A_235 = arith.constant 4 : i32
    %swap3A_236 = arith.index_cast %swap3A_235 : i32 to index
    %swap3A_237 = arith.constant 112 : index
    %swap3A_238 = tpu.vector_load %arg9[%swap3A_236, %swap3A_237] {strides = array<i32>} : memref<16x128xf32, #tpu.memory_space<vmem>>, vector<1x16xf32>,
    %swap3A_239 = vector.shape_cast %swap3A_238 : vector<1x16xf32> to vector<16xf32>
    %swap3A_240 = vector.shape_cast %broadcast_in_dim3A_1 : vector<16xf32> to vector<1x16xf32>
    tpu.vector_store %arg9[%swap3A_236, %swap3A_237], %swap3A_240 {strides = array<i32>} : memref<16x128xf32, #tpu.memory_space<vmem>>, vector<1x16xf32>,
    %swap3A_241 = arith.constant 5 : i32
    %swap3A_242 = arith.index_cast %swap3A_241 : i32 to index
    %swap3A_243 = arith.constant 0 : index
    %swap3A_244 = tpu.vector_load %arg9[%swap3A_242, %swap3A_243] {strides = array<i32>} : memref<16x128xf32, #tpu.memory_space<vmem>>, vector<1x16xf32>,
    %swap3A_245 = vector.shape_cast %swap3A_244 : vector<1x16xf32> to vector<16xf32>
    %swap3A_246 = vector.shape_cast %broadcast_in_dim3A_1 : vector<16xf32> to vector<1x16xf32>
    tpu.vector_store %arg9[%swap3A_242, %swap3A_243], %swap3A_246 {strides = array<i32>} : memref<16x128xf32, #tpu.memory_space<vmem>>, vector<1x16xf32>,
    %swap3A_247 = arith.constant 5 : i32
    %swap3A_248 = arith.index_cast %swap3A_247 : i32 to index
    %swap3A_249 = arith.constant 16 : index
    %swap3A_250 = tpu.vector_load %arg9[%swap3A_248, %swap3A_249] {strides = array<i32>} : memref<16x128xf32, #tpu.memory_space<vmem>>, vector<1x16xf32>,
    %swap3A_251 = vector.shape_cast %swap3A_250 : vector<1x16xf32> to vector<16xf32>
    %swap3A_252 = vector.shape_cast %broadcast_in_dim3A_1 : vector<16xf32> to vector<1x16xf32>
    tpu.vector_store %arg9[%swap3A_248, %swap3A_249], %swap3A_252 {strides = array<i32>} : memref<16x128xf32, #tpu.memory_space<vmem>>, vector<1x16xf32>,
    %swap3A_253 = arith.constant 5 : i32
    %swap3A_254 = arith.index_cast %swap3A_253 : i32 to index
    %swap3A_255 = arith.constant 32 : index
    %swap3A_256 = tpu.vector_load %arg9[%swap3A_254, %swap3A_255] {strides = array<i32>} : memref<16x128xf32, #tpu.memory_space<vmem>>, vector<1x16xf32>,
    %swap3A_257 = vector.shape_cast %swap3A_256 : vector<1x16xf32> to vector<16xf32>
    %swap3A_258 = vector.shape_cast %broadcast_in_dim3A_1 : vector<16xf32> to vector<1x16xf32>
    tpu.vector_store %arg9[%swap3A_254, %swap3A_255], %swap3A_258 {strides = array<i32>} : memref<16x128xf32, #tpu.memory_space<vmem>>, vector<1x16xf32>,
    %swap3A_259 = arith.constant 5 : i32
    %swap3A_260 = arith.index_cast %swap3A_259 : i32 to index
    %swap3A_261 = arith.constant 48 : index
    %swap3A_262 = tpu.vector_load %arg9[%swap3A_260, %swap3A_261] {strides = array<i32>} : memref<16x128xf32, #tpu.memory_space<vmem>>, vector<1x16xf32>,
    %swap3A_263 = vector.shape_cast %swap3A_262 : vector<1x16xf32> to vector<16xf32>
    %swap3A_264 = vector.shape_cast %broadcast_in_dim3A_1 : vector<16xf32> to vector<1x16xf32>
    tpu.vector_store %arg9[%swap3A_260, %swap3A_261], %swap3A_264 {strides = array<i32>} : memref<16x128xf32, #tpu.memory_space<vmem>>, vector<1x16xf32>,
    %swap3A_265 = arith.constant 5 : i32
    %swap3A_266 = arith.index_cast %swap3A_265 : i32 to index
    %swap3A_267 = arith.constant 64 : index
    %swap3A_268 = tpu.vector_load %arg9[%swap3A_266, %swap3A_267] {strides = array<i32>} : memref<16x128xf32, #tpu.memory_space<vmem>>, vector<1x16xf32>,
    %swap3A_269 = vector.shape_cast %swap3A_268 : vector<1x16xf32> to vector<16xf32>
    %swap3A_270 = vector.shape_cast %broadcast_in_dim3A_1 : vector<16xf32> to vector<1x16xf32>
    tpu.vector_store %arg9[%swap3A_266, %swap3A_267], %swap3A_270 {strides = array<i32>} : memref<16x128xf32, #tpu.memory_space<vmem>>, vector<1x16xf32>,
    %swap3A_271 = arith.constant 5 : i32
    %swap3A_272 = arith.index_cast %swap3A_271 : i32 to index
    %swap3A_273 = arith.constant 80 : index
    %swap3A_274 = tpu.vector_load %arg9[%swap3A_272, %swap3A_273] {strides = array<i32>} : memref<16x128xf32, #tpu.memory_space<vmem>>, vector<1x16xf32>,
    %swap3A_275 = vector.shape_cast %swap3A_274 : vector<1x16xf32> to vector<16xf32>
    %swap3A_276 = vector.shape_cast %broadcast_in_dim3A_1 : vector<16xf32> to vector<1x16xf32>
    tpu.vector_store %arg9[%swap3A_272, %swap3A_273], %swap3A_276 {strides = array<i32>} : memref<16x128xf32, #tpu.memory_space<vmem>>, vector<1x16xf32>,
    %swap3A_277 = arith.constant 5 : i32
    %swap3A_278 = arith.index_cast %swap3A_277 : i32 to index
    %swap3A_279 = arith.constant 96 : index
    %swap3A_280 = tpu.vector_load %arg9[%swap3A_278, %swap3A_279] {strides = array<i32>} : memref<16x128xf32, #tpu.memory_space<vmem>>, vector<1x16xf32>,
    %swap3A_281 = vector.shape_cast %swap3A_280 : vector<1x16xf32> to vector<16xf32>
    %swap3A_282 = vector.shape_cast %broadcast_in_dim3A_1 : vector<16xf32> to vector<1x16xf32>
    tpu.vector_store %arg9[%swap3A_278, %swap3A_279], %swap3A_282 {strides = array<i32>} : memref<16x128xf32, #tpu.memory_space<vmem>>, vector<1x16xf32>,
    %swap3A_283 = arith.constant 5 : i32
    %swap3A_284 = arith.index_cast %swap3A_283 : i32 to index
    %swap3A_285 = arith.constant 112 : index
    %swap3A_286 = tpu.vector_load %arg9[%swap3A_284, %swap3A_285] {strides = array<i32>} : memref<16x128xf32, #tpu.memory_space<vmem>>, vector<1x16xf32>,
    %swap3A_287 = vector.shape_cast %swap3A_286 : vector<1x16xf32> to vector<16xf32>
    %swap3A_288 = vector.shape_cast %broadcast_in_dim3A_1 : vector<16xf32> to vector<1x16xf32>
    tpu.vector_store %arg9[%swap3A_284, %swap3A_285], %swap3A_288 {strides = array<i32>} : memref<16x128xf32, #tpu.memory_space<vmem>>, vector<1x16xf32>,
    %swap3A_289 = arith.constant 6 : i32
    %swap3A_290 = arith.index_cast %swap3A_289 : i32 to index
    %swap3A_291 = arith.constant 0 : index
    %swap3A_292 = tpu.vector_load %arg9[%swap3A_290, %swap3A_291] {strides = array<i32>} : memref<16x128xf32, #tpu.memory_space<vmem>>, vector<1x16xf32>,
    %swap3A_293 = vector.shape_cast %swap3A_292 : vector<1x16xf32> to vector<16xf32>
    %swap3A_294 = vector.shape_cast %broadcast_in_dim3A_1 : vector<16xf32> to vector<1x16xf32>
    tpu.vector_store %arg9[%swap3A_290, %swap3A_291], %swap3A_294 {strides = array<i32>} : memref<16x128xf32, #tpu.memory_space<vmem>>, vector<1x16xf32>,
    %swap3A_295 = arith.constant 6 : i32
    %swap3A_296 = arith.index_cast %swap3A_295 : i32 to index
    %swap3A_297 = arith.constant 16 : index
    %swap3A_298 = tpu.vector_load %arg9[%swap3A_296, %swap3A_297] {strides = array<i32>} : memref<16x128xf32, #tpu.memory_space<vmem>>, vector<1x16xf32>,
    %swap3A_299 = vector.shape_cast %swap3A_298 : vector<1x16xf32> to vector<16xf32>
    %swap3A_300 = vector.shape_cast %broadcast_in_dim3A_1 : vector<16xf32> to vector<1x16xf32>
    tpu.vector_store %arg9[%swap3A_296, %swap3A_297], %swap3A_300 {strides = array<i32>} : memref<16x128xf32, #tpu.memory_space<vmem>>, vector<1x16xf32>,
    %swap3A_301 = arith.constant 6 : i32
    %swap3A_302 = arith.index_cast %swap3A_301 : i32 to index
    %swap3A_303 = arith.constant 32 : index
    %swap3A_304 = tpu.vector_load %arg9[%swap3A_302, %swap3A_303] {strides = array<i32>} : memref<16x128xf32, #tpu.memory_space<vmem>>, vector<1x16xf32>,
    %swap3A_305 = vector.shape_cast %swap3A_304 : vector<1x16xf32> to vector<16xf32>
    %swap3A_306 = vector.shape_cast %broadcast_in_dim3A_1 : vector<16xf32> to vector<1x16xf32>
    tpu.vector_store %arg9[%swap3A_302, %swap3A_303], %swap3A_306 {strides = array<i32>} : memref<16x128xf32, #tpu.memory_space<vmem>>, vector<1x16xf32>,
    %swap3A_307 = arith.constant 6 : i32
    %swap3A_308 = arith.index_cast %swap3A_307 : i32 to index
    %swap3A_309 = arith.constant 48 : index
    %swap3A_310 = tpu.vector_load %arg9[%swap3A_308, %swap3A_309] {strides = array<i32>} : memref<16x128xf32, #tpu.memory_space<vmem>>, vector<1x16xf32>,
    %swap3A_311 = vector.shape_cast %swap3A_310 : vector<1x16xf32> to vector<16xf32>
    %swap3A_312 = vector.shape_cast %broadcast_in_dim3A_1 : vector<16xf32> to vector<1x16xf32>
    tpu.vector_store %arg9[%swap3A_308, %swap3A_309], %swap3A_312 {strides = array<i32>} : memref<16x128xf32, #tpu.memory_space<vmem>>, vector<1x16xf32>,
    %swap3A_313 = arith.constant 6 : i32
    %swap3A_314 = arith.index_cast %swap3A_313 : i32 to index
    %swap3A_315 = arith.constant 64 : index
    %swap3A_316 = tpu.vector_load %arg9[%swap3A_314, %swap3A_315] {strides = array<i32>} : memref<16x128xf32, #tpu.memory_space<vmem>>, vector<1x16xf32>,
    %swap3A_317 = vector.shape_cast %swap3A_316 : vector<1x16xf32> to vector<16xf32>
    %swap3A_318 = vector.shape_cast %broadcast_in_dim3A_1 : vector<16xf32> to vector<1x16xf32>
    tpu.vector_store %arg9[%swap3A_314, %swap3A_315], %swap3A_318 {strides = array<i32>} : memref<16x128xf32, #tpu.memory_space<vmem>>, vector<1x16xf32>,
    %swap3A_319 = arith.constant 6 : i32
    %swap3A_320 = arith.index_cast %swap3A_319 : i32 to index
    %swap3A_321 = arith.constant 80 : index
    %swap3A_322 = tpu.vector_load %arg9[%swap3A_320, %swap3A_321] {strides = array<i32>} : memref<16x128xf32, #tpu.memory_space<vmem>>, vector<1x16xf32>,
    %swap3A_323 = vector.shape_cast %swap3A_322 : vector<1x16xf32> to vector<16xf32>
    %swap3A_324 = vector.shape_cast %broadcast_in_dim3A_1 : vector<16xf32> to vector<1x16xf32>
    tpu.vector_store %arg9[%swap3A_320, %swap3A_321], %swap3A_324 {strides = array<i32>} : memref<16x128xf32, #tpu.memory_space<vmem>>, vector<1x16xf32>,
    %swap3A_325 = arith.constant 6 : i32
    %swap3A_326 = arith.index_cast %swap3A_325 : i32 to index
    %swap3A_327 = arith.constant 96 : index
    %swap3A_328 = tpu.vector_load %arg9[%swap3A_326, %swap3A_327] {strides = array<i32>} : memref<16x128xf32, #tpu.memory_space<vmem>>, vector<1x16xf32>,
    %swap3A_329 = vector.shape_cast %swap3A_328 : vector<1x16xf32> to vector<16xf32>
    %swap3A_330 = vector.shape_cast %broadcast_in_dim3A_1 : vector<16xf32> to vector<1x16xf32>
    tpu.vector_store %arg9[%swap3A_326, %swap3A_327], %swap3A_330 {strides = array<i32>} : memref<16x128xf32, #tpu.memory_space<vmem>>, vector<1x16xf32>,
    %swap3A_331 = arith.constant 6 : i32
    %swap3A_332 = arith.index_cast %swap3A_331 : i32 to index
    %swap3A_333 = arith.constant 112 : index
    %swap3A_334 = tpu.vector_load %arg9[%swap3A_332, %swap3A_333] {strides = array<i32>} : memref<16x128xf32, #tpu.memory_space<vmem>>, vector<1x16xf32>,
    %swap3A_335 = vector.shape_cast %swap3A_334 : vector<1x16xf32> to vector<16xf32>
    %swap3A_336 = vector.shape_cast %broadcast_in_dim3A_1 : vector<16xf32> to vector<1x16xf32>
    tpu.vector_store %arg9[%swap3A_332, %swap3A_333], %swap3A_336 {strides = array<i32>} : memref<16x128xf32, #tpu.memory_space<vmem>>, vector<1x16xf32>,
    %swap3A_337 = arith.constant 7 : i32
    %swap3A_338 = arith.index_cast %swap3A_337 : i32 to index
    %swap3A_339 = arith.constant 0 : index
    %swap3A_340 = tpu.vector_load %arg9[%swap3A_338, %swap3A_339] {strides = array<i32>} : memref<16x128xf32, #tpu.memory_space<vmem>>, vector<1x16xf32>,
    %swap3A_341 = vector.shape_cast %swap3A_340 : vector<1x16xf32> to vector<16xf32>
    %swap3A_342 = vector.shape_cast %broadcast_in_dim3A_1 : vector<16xf32> to vector<1x16xf32>
    tpu.vector_store %arg9[%swap3A_338, %swap3A_339], %swap3A_342 {strides = array<i32>} : memref<16x128xf32, #tpu.memory_space<vmem>>, vector<1x16xf32>,
    %swap3A_343 = arith.constant 7 : i32
    %swap3A_344 = arith.index_cast %swap3A_343 : i32 to index
    %swap3A_345 = arith.constant 16 : index
    %swap3A_346 = tpu.vector_load %arg9[%swap3A_344, %swap3A_345] {strides = array<i32>} : memref<16x128xf32, #tpu.memory_space<vmem>>, vector<1x16xf32>,
    %swap3A_347 = vector.shape_cast %swap3A_346 : vector<1x16xf32> to vector<16xf32>
    %swap3A_348 = vector.shape_cast %broadcast_in_dim3A_1 : vector<16xf32> to vector<1x16xf32>
    tpu.vector_store %arg9[%swap3A_344, %swap3A_345], %swap3A_348 {strides = array<i32>} : memref<16x128xf32, #tpu.memory_space<vmem>>, vector<1x16xf32>,
    %swap3A_349 = arith.constant 7 : i32
    %swap3A_350 = arith.index_cast %swap3A_349 : i32 to index
    %swap3A_351 = arith.constant 32 : index
    %swap3A_352 = tpu.vector_load %arg9[%swap3A_350, %swap3A_351] {strides = array<i32>} : memref<16x128xf32, #tpu.memory_space<vmem>>, vector<1x16xf32>,
    %swap3A_353 = vector.shape_cast %swap3A_352 : vector<1x16xf32> to vector<16xf32>
    %swap3A_354 = vector.shape_cast %broadcast_in_dim3A_1 : vector<16xf32> to vector<1x16xf32>
    tpu.vector_store %arg9[%swap3A_350, %swap3A_351], %swap3A_354 {strides = array<i32>} : memref<16x128xf32, #tpu.memory_space<vmem>>, vector<1x16xf32>,
    %swap3A_355 = arith.constant 7 : i32
    %swap3A_356 = arith.index_cast %swap3A_355 : i32 to index
    %swap3A_357 = arith.constant 48 : index
    %swap3A_358 = tpu.vector_load %arg9[%swap3A_356, %swap3A_357] {strides = array<i32>} : memref<16x128xf32, #tpu.memory_space<vmem>>, vector<1x16xf32>,
    %swap3A_359 = vector.shape_cast %swap3A_358 : vector<1x16xf32> to vector<16xf32>
    %swap3A_360 = vector.shape_cast %broadcast_in_dim3A_1 : vector<16xf32> to vector<1x16xf32>
    tpu.vector_store %arg9[%swap3A_356, %swap3A_357], %swap3A_360 {strides = array<i32>} : memref<16x128xf32, #tpu.memory_space<vmem>>, vector<1x16xf32>,
    %swap3A_361 = arith.constant 7 : i32
    %swap3A_362 = arith.index_cast %swap3A_361 : i32 to index
    %swap3A_363 = arith.constant 64 : index
    %swap3A_364 = tpu.vector_load %arg9[%swap3A_362, %swap3A_363] {strides = array<i32>} : memref<16x128xf32, #tpu.memory_space<vmem>>, vector<1x16xf32>,
    %swap3A_365 = vector.shape_cast %swap3A_364 : vector<1x16xf32> to vector<16xf32>
    %swap3A_366 = vector.shape_cast %broadcast_in_dim3A_1 : vector<16xf32> to vector<1x16xf32>
    tpu.vector_store %arg9[%swap3A_362, %swap3A_363], %swap3A_366 {strides = array<i32>} : memref<16x128xf32, #tpu.memory_space<vmem>>, vector<1x16xf32>,
    %swap3A_367 = arith.constant 7 : i32
    %swap3A_368 = arith.index_cast %swap3A_367 : i32 to index
    %swap3A_369 = arith.constant 80 : index
    %swap3A_370 = tpu.vector_load %arg9[%swap3A_368, %swap3A_369] {strides = array<i32>} : memref<16x128xf32, #tpu.memory_space<vmem>>, vector<1x16xf32>,
    %swap3A_371 = vector.shape_cast %swap3A_370 : vector<1x16xf32> to vector<16xf32>
    %swap3A_372 = vector.shape_cast %broadcast_in_dim3A_1 : vector<16xf32> to vector<1x16xf32>
    tpu.vector_store %arg9[%swap3A_368, %swap3A_369], %swap3A_372 {strides = array<i32>} : memref<16x128xf32, #tpu.memory_space<vmem>>, vector<1x16xf32>,
    %swap3A_373 = arith.constant 7 : i32
    %swap3A_374 = arith.index_cast %swap3A_373 : i32 to index
    %swap3A_375 = arith.constant 96 : index
    %swap3A_376 = tpu.vector_load %arg9[%swap3A_374, %swap3A_375] {strides = array<i32>} : memref<16x128xf32, #tpu.memory_space<vmem>>, vector<1x16xf32>,
    %swap3A_377 = vector.shape_cast %swap3A_376 : vector<1x16xf32> to vector<16xf32>
    %swap3A_378 = vector.shape_cast %broadcast_in_dim3A_1 : vector<16xf32> to vector<1x16xf32>
    tpu.vector_store %arg9[%swap3A_374, %swap3A_375], %swap3A_378 {strides = array<i32>} : memref<16x128xf32, #tpu.memory_space<vmem>>, vector<1x16xf32>,
    %swap3A_379 = arith.constant 7 : i32
    %swap3A_380 = arith.index_cast %swap3A_379 : i32 to index
    %swap3A_381 = arith.constant 112 : index
    %swap3A_382 = tpu.vector_load %arg9[%swap3A_380, %swap3A_381] {strides = array<i32>} : memref<16x128xf32, #tpu.memory_space<vmem>>, vector<1x16xf32>,
    %swap3A_383 = vector.shape_cast %swap3A_382 : vector<1x16xf32> to vector<16xf32>
    %swap3A_384 = vector.shape_cast %broadcast_in_dim3A_1 : vector<16xf32> to vector<1x16xf32>
    tpu.vector_store %arg9[%swap3A_380, %swap3A_381], %swap3A_384 {strides = array<i32>} : memref<16x128xf32, #tpu.memory_space<vmem>>, vector<1x16xf32>,
    %swap3A_385 = arith.constant 8 : i32
    %swap3A_386 = arith.index_cast %swap3A_385 : i32 to index
    %swap3A_387 = arith.constant 0 : index
    %swap3A_388 = tpu.vector_load %arg9[%swap3A_386, %swap3A_387] {strides = array<i32>} : memref<16x128xf32, #tpu.memory_space<vmem>>, vector<1x16xf32>,
    %swap3A_389 = vector.shape_cast %swap3A_388 : vector<1x16xf32> to vector<16xf32>
    %swap3A_390 = vector.shape_cast %broadcast_in_dim3A_1 : vector<16xf32> to vector<1x16xf32>
    tpu.vector_store %arg9[%swap3A_386, %swap3A_387], %swap3A_390 {strides = array<i32>} : memref<16x128xf32, #tpu.memory_space<vmem>>, vector<1x16xf32>,
    %swap3A_391 = arith.constant 8 : i32
    %swap3A_392 = arith.index_cast %swap3A_391 : i32 to index
    %swap3A_393 = arith.constant 16 : index
    %swap3A_394 = tpu.vector_load %arg9[%swap3A_392, %swap3A_393] {strides = array<i32>} : memref<16x128xf32, #tpu.memory_space<vmem>>, vector<1x16xf32>,
    %swap3A_395 = vector.shape_cast %swap3A_394 : vector<1x16xf32> to vector<16xf32>
    %swap3A_396 = vector.shape_cast %broadcast_in_dim3A_1 : vector<16xf32> to vector<1x16xf32>
    tpu.vector_store %arg9[%swap3A_392, %swap3A_393], %swap3A_396 {strides = array<i32>} : memref<16x128xf32, #tpu.memory_space<vmem>>, vector<1x16xf32>,
    %swap3A_397 = arith.constant 8 : i32
    %swap3A_398 = arith.index_cast %swap3A_397 : i32 to index
    %swap3A_399 = arith.constant 32 : index
    %swap3A_400 = tpu.vector_load %arg9[%swap3A_398, %swap3A_399] {strides = array<i32>} : memref<16x128xf32, #tpu.memory_space<vmem>>, vector<1x16xf32>,
    %swap3A_401 = vector.shape_cast %swap3A_400 : vector<1x16xf32> to vector<16xf32>
    %swap3A_402 = vector.shape_cast %broadcast_in_dim3A_1 : vector<16xf32> to vector<1x16xf32>
    tpu.vector_store %arg9[%swap3A_398, %swap3A_399], %swap3A_402 {strides = array<i32>} : memref<16x128xf32, #tpu.memory_space<vmem>>, vector<1x16xf32>,
    %swap3A_403 = arith.constant 8 : i32
    %swap3A_404 = arith.index_cast %swap3A_403 : i32 to index
    %swap3A_405 = arith.constant 48 : index
    %swap3A_406 = tpu.vector_load %arg9[%swap3A_404, %swap3A_405] {strides = array<i32>} : memref<16x128xf32, #tpu.memory_space<vmem>>, vector<1x16xf32>,
    %swap3A_407 = vector.shape_cast %swap3A_406 : vector<1x16xf32> to vector<16xf32>
    %swap3A_408 = vector.shape_cast %broadcast_in_dim3A_1 : vector<16xf32> to vector<1x16xf32>
    tpu.vector_store %arg9[%swap3A_404, %swap3A_405], %swap3A_408 {strides = array<i32>} : memref<16x128xf32, #tpu.memory_space<vmem>>, vector<1x16xf32>,
    %swap3A_409 = arith.constant 8 : i32
    %swap3A_410 = arith.index_cast %swap3A_409 : i32 to index
    %swap3A_411 = arith.constant 64 : index
    %swap3A_412 = tpu.vector_load %arg9[%swap3A_410, %swap3A_411] {strides = array<i32>} : memref<16x128xf32, #tpu.memory_space<vmem>>, vector<1x16xf32>,
    %swap3A_413 = vector.shape_cast %swap3A_412 : vector<1x16xf32> to vector<16xf32>
    %swap3A_414 = vector.shape_cast %broadcast_in_dim3A_1 : vector<16xf32> to vector<1x16xf32>
    tpu.vector_store %arg9[%swap3A_410, %swap3A_411], %swap3A_414 {strides = array<i32>} : memref<16x128xf32, #tpu.memory_space<vmem>>, vector<1x16xf32>,
    %swap3A_415 = arith.constant 8 : i32
    %swap3A_416 = arith.index_cast %swap3A_415 : i32 to index
    %swap3A_417 = arith.constant 80 : index
    %swap3A_418 = tpu.vector_load %arg9[%swap3A_416, %swap3A_417] {strides = array<i32>} : memref<16x128xf32, #tpu.memory_space<vmem>>, vector<1x16xf32>,
    %swap3A_419 = vector.shape_cast %swap3A_418 : vector<1x16xf32> to vector<16xf32>
    %swap3A_420 = vector.shape_cast %broadcast_in_dim3A_1 : vector<16xf32> to vector<1x16xf32>
    tpu.vector_store %arg9[%swap3A_416, %swap3A_417], %swap3A_420 {strides = array<i32>} : memref<16x128xf32, #tpu.memory_space<vmem>>, vector<1x16xf32>,
    %swap3A_421 = arith.constant 8 : i32
    %swap3A_422 = arith.index_cast %swap3A_421 : i32 to index
    %swap3A_423 = arith.constant 96 : index
    %swap3A_424 = tpu.vector_load %arg9[%swap3A_422, %swap3A_423] {strides = array<i32>} : memref<16x128xf32, #tpu.memory_space<vmem>>, vector<1x16xf32>,
    %swap3A_425 = vector.shape_cast %swap3A_424 : vector<1x16xf32> to vector<16xf32>
    %swap3A_426 = vector.shape_cast %broadcast_in_dim3A_1 : vector<16xf32> to vector<1x16xf32>
    tpu.vector_store %arg9[%swap3A_422, %swap3A_423], %swap3A_426 {strides = array<i32>} : memref<16x128xf32, #tpu.memory_space<vmem>>, vector<1x16xf32>,
    %swap3A_427 = arith.constant 8 : i32
    %swap3A_428 = arith.index_cast %swap3A_427 : i32 to index
    %swap3A_429 = arith.constant 112 : index
    %swap3A_430 = tpu.vector_load %arg9[%swap3A_428, %swap3A_429] {strides = array<i32>} : memref<16x128xf32, #tpu.memory_space<vmem>>, vector<1x16xf32>,
    %swap3A_431 = vector.shape_cast %swap3A_430 : vector<1x16xf32> to vector<16xf32>
    %swap3A_432 = vector.shape_cast %broadcast_in_dim3A_1 : vector<16xf32> to vector<1x16xf32>
    tpu.vector_store %arg9[%swap3A_428, %swap3A_429], %swap3A_432 {strides = array<i32>} : memref<16x128xf32, #tpu.memory_space<vmem>>, vector<1x16xf32>,
    %swap3A_433 = arith.constant 9 : i32
    %swap3A_434 = arith.index_cast %swap3A_433 : i32 to index
    %swap3A_435 = arith.constant 0 : index
    %swap3A_436 = tpu.vector_load %arg9[%swap3A_434, %swap3A_435] {strides = array<i32>} : memref<16x128xf32, #tpu.memory_space<vmem>>, vector<1x16xf32>,
    %swap3A_437 = vector.shape_cast %swap3A_436 : vector<1x16xf32> to vector<16xf32>
    %swap3A_438 = vector.shape_cast %broadcast_in_dim3A_1 : vector<16xf32> to vector<1x16xf32>
    tpu.vector_store %arg9[%swap3A_434, %swap3A_435], %swap3A_438 {strides = array<i32>} : memref<16x128xf32, #tpu.memory_space<vmem>>, vector<1x16xf32>,
    %swap3A_439 = arith.constant 9 : i32
    %swap3A_440 = arith.index_cast %swap3A_439 : i32 to index
    %swap3A_441 = arith.constant 16 : index
    %swap3A_442 = tpu.vector_load %arg9[%swap3A_440, %swap3A_441] {strides = array<i32>} : memref<16x128xf32, #tpu.memory_space<vmem>>, vector<1x16xf32>,
    %swap3A_443 = vector.shape_cast %swap3A_442 : vector<1x16xf32> to vector<16xf32>
    %swap3A_444 = vector.shape_cast %broadcast_in_dim3A_1 : vector<16xf32> to vector<1x16xf32>
    tpu.vector_store %arg9[%swap3A_440, %swap3A_441], %swap3A_444 {strides = array<i32>} : memref<16x128xf32, #tpu.memory_space<vmem>>, vector<1x16xf32>,
    %swap3A_445 = arith.constant 9 : i32
    %swap3A_446 = arith.index_cast %swap3A_445 : i32 to index
    %swap3A_447 = arith.constant 32 : index
    %swap3A_448 = tpu.vector_load %arg9[%swap3A_446, %swap3A_447] {strides = array<i32>} : memref<16x128xf32, #tpu.memory_space<vmem>>, vector<1x16xf32>,
    %swap3A_449 = vector.shape_cast %swap3A_448 : vector<1x16xf32> to vector<16xf32>
    %swap3A_450 = vector.shape_cast %broadcast_in_dim3A_1 : vector<16xf32> to vector<1x16xf32>
    tpu.vector_store %arg9[%swap3A_446, %swap3A_447], %swap3A_450 {strides = array<i32>} : memref<16x128xf32, #tpu.memory_space<vmem>>, vector<1x16xf32>,
    %swap3A_451 = arith.constant 9 : i32
    %swap3A_452 = arith.index_cast %swap3A_451 : i32 to index
    %swap3A_453 = arith.constant 48 : index
    %swap3A_454 = tpu.vector_load %arg9[%swap3A_452, %swap3A_453] {strides = array<i32>} : memref<16x128xf32, #tpu.memory_space<vmem>>, vector<1x16xf32>,
    %swap3A_455 = vector.shape_cast %swap3A_454 : vector<1x16xf32> to vector<16xf32>
    %swap3A_456 = vector.shape_cast %broadcast_in_dim3A_1 : vector<16xf32> to vector<1x16xf32>
    tpu.vector_store %arg9[%swap3A_452, %swap3A_453], %swap3A_456 {strides = array<i32>} : memref<16x128xf32, #tpu.memory_space<vmem>>, vector<1x16xf32>,
    %swap3A_457 = arith.constant 9 : i32
    %swap3A_458 = arith.index_cast %swap3A_457 : i32 to index
    %swap3A_459 = arith.constant 64 : index
    %swap3A_460 = tpu.vector_load %arg9[%swap3A_458, %swap3A_459] {strides = array<i32>} : memref<16x128xf32, #tpu.memory_space<vmem>>, vector<1x16xf32>,
    %swap3A_461 = vector.shape_cast %swap3A_460 : vector<1x16xf32> to vector<16xf32>
    %swap3A_462 = vector.shape_cast %broadcast_in_dim3A_1 : vector<16xf32> to vector<1x16xf32>
    tpu.vector_store %arg9[%swap3A_458, %swap3A_459], %swap3A_462 {strides = array<i32>} : memref<16x128xf32, #tpu.memory_space<vmem>>, vector<1x16xf32>,
    %swap3A_463 = arith.constant 9 : i32
    %swap3A_464 = arith.index_cast %swap3A_463 : i32 to index
    %swap3A_465 = arith.constant 80 : index
    %swap3A_466 = tpu.vector_load %arg9[%swap3A_464, %swap3A_465] {strides = array<i32>} : memref<16x128xf32, #tpu.memory_space<vmem>>, vector<1x16xf32>,
    %swap3A_467 = vector.shape_cast %swap3A_466 : vector<1x16xf32> to vector<16xf32>
    %swap3A_468 = vector.shape_cast %broadcast_in_dim3A_1 : vector<16xf32> to vector<1x16xf32>
    tpu.vector_store %arg9[%swap3A_464, %swap3A_465], %swap3A_468 {strides = array<i32>} : memref<16x128xf32, #tpu.memory_space<vmem>>, vector<1x16xf32>,
    %swap3A_469 = arith.constant 9 : i32
    %swap3A_470 = arith.index_cast %swap3A_469 : i32 to index
    %swap3A_471 = arith.constant 96 : index
    %swap3A_472 = tpu.vector_load %arg9[%swap3A_470, %swap3A_471] {strides = array<i32>} : memref<16x128xf32, #tpu.memory_space<vmem>>, vector<1x16xf32>,
    %swap3A_473 = vector.shape_cast %swap3A_472 : vector<1x16xf32> to vector<16xf32>
    %swap3A_474 = vector.shape_cast %broadcast_in_dim3A_1 : vector<16xf32> to vector<1x16xf32>
    tpu.vector_store %arg9[%swap3A_470, %swap3A_471], %swap3A_474 {strides = array<i32>} : memref<16x128xf32, #tpu.memory_space<vmem>>, vector<1x16xf32>,
    %swap3A_475 = arith.constant 9 : i32
    %swap3A_476 = arith.index_cast %swap3A_475 : i32 to index
    %swap3A_477 = arith.constant 112 : index
    %swap3A_478 = tpu.vector_load %arg9[%swap3A_476, %swap3A_477] {strides = array<i32>} : memref<16x128xf32, #tpu.memory_space<vmem>>, vector<1x16xf32>,
    %swap3A_479 = vector.shape_cast %swap3A_478 : vector<1x16xf32> to vector<16xf32>
    %swap3A_480 = vector.shape_cast %broadcast_in_dim3A_1 : vector<16xf32> to vector<1x16xf32>
    tpu.vector_store %arg9[%swap3A_476, %swap3A_477], %swap3A_480 {strides = array<i32>} : memref<16x128xf32, #tpu.memory_space<vmem>>, vector<1x16xf32>,
    %swap3A_481 = arith.constant 10 : i32
    %swap3A_482 = arith.index_cast %swap3A_481 : i32 to index
    %swap3A_483 = arith.constant 0 : index
    %swap3A_484 = tpu.vector_load %arg9[%swap3A_482, %swap3A_483] {strides = array<i32>} : memref<16x128xf32, #tpu.memory_space<vmem>>, vector<1x16xf32>,
    %swap3A_485 = vector.shape_cast %swap3A_484 : vector<1x16xf32> to vector<16xf32>
    %swap3A_486 = vector.shape_cast %broadcast_in_dim3A_1 : vector<16xf32> to vector<1x16xf32>
    tpu.vector_store %arg9[%swap3A_482, %swap3A_483], %swap3A_486 {strides = array<i32>} : memref<16x128xf32, #tpu.memory_space<vmem>>, vector<1x16xf32>,
    %swap3A_487 = arith.constant 10 : i32
    %swap3A_488 = arith.index_cast %swap3A_487 : i32 to index
    %swap3A_489 = arith.constant 16 : index
    %swap3A_490 = tpu.vector_load %arg9[%swap3A_488, %swap3A_489] {strides = array<i32>} : memref<16x128xf32, #tpu.memory_space<vmem>>, vector<1x16xf32>,
    %swap3A_491 = vector.shape_cast %swap3A_490 : vector<1x16xf32> to vector<16xf32>
    %swap3A_492 = vector.shape_cast %broadcast_in_dim3A_1 : vector<16xf32> to vector<1x16xf32>
    tpu.vector_store %arg9[%swap3A_488, %swap3A_489], %swap3A_492 {strides = array<i32>} : memref<16x128xf32, #tpu.memory_space<vmem>>, vector<1x16xf32>,
    %swap3A_493 = arith.constant 10 : i32
    %swap3A_494 = arith.index_cast %swap3A_493 : i32 to index
    %swap3A_495 = arith.constant 32 : index
    %swap3A_496 = tpu.vector_load %arg9[%swap3A_494, %swap3A_495] {strides = array<i32>} : memref<16x128xf32, #tpu.memory_space<vmem>>, vector<1x16xf32>,
    %swap3A_497 = vector.shape_cast %swap3A_496 : vector<1x16xf32> to vector<16xf32>
    %swap3A_498 = vector.shape_cast %broadcast_in_dim3A_1 : vector<16xf32> to vector<1x16xf32>
    tpu.vector_store %arg9[%swap3A_494, %swap3A_495], %swap3A_498 {strides = array<i32>} : memref<16x128xf32, #tpu.memory_space<vmem>>, vector<1x16xf32>,
    %swap3A_499 = arith.constant 10 : i32
    %swap3A_500 = arith.index_cast %swap3A_499 : i32 to index
    %swap3A_501 = arith.constant 48 : index
    %swap3A_502 = tpu.vector_load %arg9[%swap3A_500, %swap3A_501] {strides = array<i32>} : memref<16x128xf32, #tpu.memory_space<vmem>>, vector<1x16xf32>,
    %swap3A_503 = vector.shape_cast %swap3A_502 : vector<1x16xf32> to vector<16xf32>
    %swap3A_504 = vector.shape_cast %broadcast_in_dim3A_1 : vector<16xf32> to vector<1x16xf32>
    tpu.vector_store %arg9[%swap3A_500, %swap3A_501], %swap3A_504 {strides = array<i32>} : memref<16x128xf32, #tpu.memory_space<vmem>>, vector<1x16xf32>,
    %swap3A_505 = arith.constant 10 : i32
    %swap3A_506 = arith.index_cast %swap3A_505 : i32 to index
    %swap3A_507 = arith.constant 64 : index
    %swap3A_508 = tpu.vector_load %arg9[%swap3A_506, %swap3A_507] {strides = array<i32>} : memref<16x128xf32, #tpu.memory_space<vmem>>, vector<1x16xf32>,
    %swap3A_509 = vector.shape_cast %swap3A_508 : vector<1x16xf32> to vector<16xf32>
    %swap3A_510 = vector.shape_cast %broadcast_in_dim3A_1 : vector<16xf32> to vector<1x16xf32>
    tpu.vector_store %arg9[%swap3A_506, %swap3A_507], %swap3A_510 {strides = array<i32>} : memref<16x128xf32, #tpu.memory_space<vmem>>, vector<1x16xf32>,
    %swap3A_511 = arith.constant 10 : i32
    %swap3A_512 = arith.index_cast %swap3A_511 : i32 to index
    %swap3A_513 = arith.constant 80 : index
    %swap3A_514 = tpu.vector_load %arg9[%swap3A_512, %swap3A_513] {strides = array<i32>} : memref<16x128xf32, #tpu.memory_space<vmem>>, vector<1x16xf32>,
    %swap3A_515 = vector.shape_cast %swap3A_514 : vector<1x16xf32> to vector<16xf32>
    %swap3A_516 = vector.shape_cast %broadcast_in_dim3A_1 : vector<16xf32> to vector<1x16xf32>
    tpu.vector_store %arg9[%swap3A_512, %swap3A_513], %swap3A_516 {strides = array<i32>} : memref<16x128xf32, #tpu.memory_space<vmem>>, vector<1x16xf32>,
    %swap3A_517 = arith.constant 10 : i32
    %swap3A_518 = arith.index_cast %swap3A_517 : i32 to index
    %swap3A_519 = arith.constant 96 : index
    %swap3A_520 = tpu.vector_load %arg9[%swap3A_518, %swap3A_519] {strides = array<i32>} : memref<16x128xf32, #tpu.memory_space<vmem>>, vector<1x16xf32>,
    %swap3A_521 = vector.shape_cast %swap3A_520 : vector<1x16xf32> to vector<16xf32>
    %swap3A_522 = vector.shape_cast %broadcast_in_dim3A_1 : vector<16xf32> to vector<1x16xf32>
    tpu.vector_store %arg9[%swap3A_518, %swap3A_519], %swap3A_522 {strides = array<i32>} : memref<16x128xf32, #tpu.memory_space<vmem>>, vector<1x16xf32>,
    %swap3A_523 = arith.constant 10 : i32
    %swap3A_524 = arith.index_cast %swap3A_523 : i32 to index
    %swap3A_525 = arith.constant 112 : index
    %swap3A_526 = tpu.vector_load %arg9[%swap3A_524, %swap3A_525] {strides = array<i32>} : memref<16x128xf32, #tpu.memory_space<vmem>>, vector<1x16xf32>,
    %swap3A_527 = vector.shape_cast %swap3A_526 : vector<1x16xf32> to vector<16xf32>
    %swap3A_528 = vector.shape_cast %broadcast_in_dim3A_1 : vector<16xf32> to vector<1x16xf32>
    tpu.vector_store %arg9[%swap3A_524, %swap3A_525], %swap3A_528 {strides = array<i32>} : memref<16x128xf32, #tpu.memory_space<vmem>>, vector<1x16xf32>,
    %swap3A_529 = arith.constant 11 : i32
    %swap3A_530 = arith.index_cast %swap3A_529 : i32 to index
    %swap3A_531 = arith.constant 0 : index
    %swap3A_532 = tpu.vector_load %arg9[%swap3A_530, %swap3A_531] {strides = array<i32>} : memref<16x128xf32, #tpu.memory_space<vmem>>, vector<1x16xf32>,
    %swap3A_533 = vector.shape_cast %swap3A_532 : vector<1x16xf32> to vector<16xf32>
    %swap3A_534 = vector.shape_cast %broadcast_in_dim3A_1 : vector<16xf32> to vector<1x16xf32>
    tpu.vector_store %arg9[%swap3A_530, %swap3A_531], %swap3A_534 {strides = array<i32>} : memref<16x128xf32, #tpu.memory_space<vmem>>, vector<1x16xf32>,
    %swap3A_535 = arith.constant 11 : i32
    %swap3A_536 = arith.index_cast %swap3A_535 : i32 to index
    %swap3A_537 = arith.constant 16 : index
    %swap3A_538 = tpu.vector_load %arg9[%swap3A_536, %swap3A_537] {strides = array<i32>} : memref<16x128xf32, #tpu.memory_space<vmem>>, vector<1x16xf32>,
    %swap3A_539 = vector.shape_cast %swap3A_538 : vector<1x16xf32> to vector<16xf32>
    %swap3A_540 = vector.shape_cast %broadcast_in_dim3A_1 : vector<16xf32> to vector<1x16xf32>
    tpu.vector_store %arg9[%swap3A_536, %swap3A_537], %swap3A_540 {strides = array<i32>} : memref<16x128xf32, #tpu.memory_space<vmem>>, vector<1x16xf32>,
    %swap3A_541 = arith.constant 11 : i32
    %swap3A_542 = arith.index_cast %swap3A_541 : i32 to index
    %swap3A_543 = arith.constant 32 : index
    %swap3A_544 = tpu.vector_load %arg9[%swap3A_542, %swap3A_543] {strides = array<i32>} : memref<16x128xf32, #tpu.memory_space<vmem>>, vector<1x16xf32>,
    %swap3A_545 = vector.shape_cast %swap3A_544 : vector<1x16xf32> to vector<16xf32>
    %swap3A_546 = vector.shape_cast %broadcast_in_dim3A_1 : vector<16xf32> to vector<1x16xf32>
    tpu.vector_store %arg9[%swap3A_542, %swap3A_543], %swap3A_546 {strides = array<i32>} : memref<16x128xf32, #tpu.memory_space<vmem>>, vector<1x16xf32>,
    %swap3A_547 = arith.constant 11 : i32
    %swap3A_548 = arith.index_cast %swap3A_547 : i32 to index
    %swap3A_549 = arith.constant 48 : index
    %swap3A_550 = tpu.vector_load %arg9[%swap3A_548, %swap3A_549] {strides = array<i32>} : memref<16x128xf32, #tpu.memory_space<vmem>>, vector<1x16xf32>,
    %swap3A_551 = vector.shape_cast %swap3A_550 : vector<1x16xf32> to vector<16xf32>
    %swap3A_552 = vector.shape_cast %broadcast_in_dim3A_1 : vector<16xf32> to vector<1x16xf32>
    tpu.vector_store %arg9[%swap3A_548, %swap3A_549], %swap3A_552 {strides = array<i32>} : memref<16x128xf32, #tpu.memory_space<vmem>>, vector<1x16xf32>,
    %swap3A_553 = arith.constant 11 : i32
    %swap3A_554 = arith.index_cast %swap3A_553 : i32 to index
    %swap3A_555 = arith.constant 64 : index
    %swap3A_556 = tpu.vector_load %arg9[%swap3A_554, %swap3A_555] {strides = array<i32>} : memref<16x128xf32, #tpu.memory_space<vmem>>, vector<1x16xf32>,
    %swap3A_557 = vector.shape_cast %swap3A_556 : vector<1x16xf32> to vector<16xf32>
    %swap3A_558 = vector.shape_cast %broadcast_in_dim3A_1 : vector<16xf32> to vector<1x16xf32>
    tpu.vector_store %arg9[%swap3A_554, %swap3A_555], %swap3A_558 {strides = array<i32>} : memref<16x128xf32, #tpu.memory_space<vmem>>, vector<1x16xf32>,
    %swap3A_559 = arith.constant 11 : i32
    %swap3A_560 = arith.index_cast %swap3A_559 : i32 to index
    %swap3A_561 = arith.constant 80 : index
    %swap3A_562 = tpu.vector_load %arg9[%swap3A_560, %swap3A_561] {strides = array<i32>} : memref<16x128xf32, #tpu.memory_space<vmem>>, vector<1x16xf32>,
    %swap3A_563 = vector.shape_cast %swap3A_562 : vector<1x16xf32> to vector<16xf32>
    %swap3A_564 = vector.shape_cast %broadcast_in_dim3A_1 : vector<16xf32> to vector<1x16xf32>
    tpu.vector_store %arg9[%swap3A_560, %swap3A_561], %swap3A_564 {strides = array<i32>} : memref<16x128xf32, #tpu.memory_space<vmem>>, vector<1x16xf32>,
    %swap3A_565 = arith.constant 11 : i32
    %swap3A_566 = arith.index_cast %swap3A_565 : i32 to index
    %swap3A_567 = arith.constant 96 : index
    %swap3A_568 = tpu.vector_load %arg9[%swap3A_566, %swap3A_567] {strides = array<i32>} : memref<16x128xf32, #tpu.memory_space<vmem>>, vector<1x16xf32>,
    %swap3A_569 = vector.shape_cast %swap3A_568 : vector<1x16xf32> to vector<16xf32>
    %swap3A_570 = vector.shape_cast %broadcast_in_dim3A_1 : vector<16xf32> to vector<1x16xf32>
    tpu.vector_store %arg9[%swap3A_566, %swap3A_567], %swap3A_570 {strides = array<i32>} : memref<16x128xf32, #tpu.memory_space<vmem>>, vector<1x16xf32>,
    %swap3A_571 = arith.constant 11 : i32
    %swap3A_572 = arith.index_cast %swap3A_571 : i32 to index
    %swap3A_573 = arith.constant 112 : index
    %swap3A_574 = tpu.vector_load %arg9[%swap3A_572, %swap3A_573] {strides = array<i32>} : memref<16x128xf32, #tpu.memory_space<vmem>>, vector<1x16xf32>,
    %swap3A_575 = vector.shape_cast %swap3A_574 : vector<1x16xf32> to vector<16xf32>
    %swap3A_576 = vector.shape_cast %broadcast_in_dim3A_1 : vector<16xf32> to vector<1x16xf32>
    tpu.vector_store %arg9[%swap3A_572, %swap3A_573], %swap3A_576 {strides = array<i32>} : memref<16x128xf32, #tpu.memory_space<vmem>>, vector<1x16xf32>,
    %swap3A_577 = arith.constant 12 : i32
    %swap3A_578 = arith.index_cast %swap3A_577 : i32 to index
    %swap3A_579 = arith.constant 0 : index
    %swap3A_580 = tpu.vector_load %arg9[%swap3A_578, %swap3A_579] {strides = array<i32>} : memref<16x128xf32, #tpu.memory_space<vmem>>, vector<1x16xf32>,
    %swap3A_581 = vector.shape_cast %swap3A_580 : vector<1x16xf32> to vector<16xf32>
    %swap3A_582 = vector.shape_cast %broadcast_in_dim3A_1 : vector<16xf32> to vector<1x16xf32>
    tpu.vector_store %arg9[%swap3A_578, %swap3A_579], %swap3A_582 {strides = array<i32>} : memref<16x128xf32, #tpu.memory_space<vmem>>, vector<1x16xf32>,
    %swap3A_583 = arith.constant 12 : i32
    %swap3A_584 = arith.index_cast %swap3A_583 : i32 to index
    %swap3A_585 = arith.constant 16 : index
    %swap3A_586 = tpu.vector_load %arg9[%swap3A_584, %swap3A_585] {strides = array<i32>} : memref<16x128xf32, #tpu.memory_space<vmem>>, vector<1x16xf32>,
    %swap3A_587 = vector.shape_cast %swap3A_586 : vector<1x16xf32> to vector<16xf32>
    %swap3A_588 = vector.shape_cast %broadcast_in_dim3A_1 : vector<16xf32> to vector<1x16xf32>
    tpu.vector_store %arg9[%swap3A_584, %swap3A_585], %swap3A_588 {strides = array<i32>} : memref<16x128xf32, #tpu.memory_space<vmem>>, vector<1x16xf32>,
    %swap3A_589 = arith.constant 12 : i32
    %swap3A_590 = arith.index_cast %swap3A_589 : i32 to index
    %swap3A_591 = arith.constant 32 : index
    %swap3A_592 = tpu.vector_load %arg9[%swap3A_590, %swap3A_591] {strides = array<i32>} : memref<16x128xf32, #tpu.memory_space<vmem>>, vector<1x16xf32>,
    %swap3A_593 = vector.shape_cast %swap3A_592 : vector<1x16xf32> to vector<16xf32>
    %swap3A_594 = vector.shape_cast %broadcast_in_dim3A_1 : vector<16xf32> to vector<1x16xf32>
    tpu.vector_store %arg9[%swap3A_590, %swap3A_591], %swap3A_594 {strides = array<i32>} : memref<16x128xf32, #tpu.memory_space<vmem>>, vector<1x16xf32>,
    %swap3A_595 = arith.constant 12 : i32
    %swap3A_596 = arith.index_cast %swap3A_595 : i32 to index
    %swap3A_597 = arith.constant 48 : index
    %swap3A_598 = tpu.vector_load %arg9[%swap3A_596, %swap3A_597] {strides = array<i32>} : memref<16x128xf32, #tpu.memory_space<vmem>>, vector<1x16xf32>,
    %swap3A_599 = vector.shape_cast %swap3A_598 : vector<1x16xf32> to vector<16xf32>
    %swap3A_600 = vector.shape_cast %broadcast_in_dim3A_1 : vector<16xf32> to vector<1x16xf32>
    tpu.vector_store %arg9[%swap3A_596, %swap3A_597], %swap3A_600 {strides = array<i32>} : memref<16x128xf32, #tpu.memory_space<vmem>>, vector<1x16xf32>,
    %swap3A_601 = arith.constant 12 : i32
    %swap3A_602 = arith.index_cast %swap3A_601 : i32 to index
    %swap3A_603 = arith.constant 64 : index
    %swap3A_604 = tpu.vector_load %arg9[%swap3A_602, %swap3A_603] {strides = array<i32>} : memref<16x128xf32, #tpu.memory_space<vmem>>, vector<1x16xf32>,
    %swap3A_605 = vector.shape_cast %swap3A_604 : vector<1x16xf32> to vector<16xf32>
    %swap3A_606 = vector.shape_cast %broadcast_in_dim3A_1 : vector<16xf32> to vector<1x16xf32>
    tpu.vector_store %arg9[%swap3A_602, %swap3A_603], %swap3A_606 {strides = array<i32>} : memref<16x128xf32, #tpu.memory_space<vmem>>, vector<1x16xf32>,
    %swap3A_607 = arith.constant 12 : i32
    %swap3A_608 = arith.index_cast %swap3A_607 : i32 to index
    %swap3A_609 = arith.constant 80 : index
    %swap3A_610 = tpu.vector_load %arg9[%swap3A_608, %swap3A_609] {strides = array<i32>} : memref<16x128xf32, #tpu.memory_space<vmem>>, vector<1x16xf32>,
    %swap3A_611 = vector.shape_cast %swap3A_610 : vector<1x16xf32> to vector<16xf32>
    %swap3A_612 = vector.shape_cast %broadcast_in_dim3A_1 : vector<16xf32> to vector<1x16xf32>
    tpu.vector_store %arg9[%swap3A_608, %swap3A_609], %swap3A_612 {strides = array<i32>} : memref<16x128xf32, #tpu.memory_space<vmem>>, vector<1x16xf32>,
    %swap3A_613 = arith.constant 12 : i32
    %swap3A_614 = arith.index_cast %swap3A_613 : i32 to index
    %swap3A_615 = arith.constant 96 : index
    %swap3A_616 = tpu.vector_load %arg9[%swap3A_614, %swap3A_615] {strides = array<i32>} : memref<16x128xf32, #tpu.memory_space<vmem>>, vector<1x16xf32>,
    %swap3A_617 = vector.shape_cast %swap3A_616 : vector<1x16xf32> to vector<16xf32>
    %swap3A_618 = vector.shape_cast %broadcast_in_dim3A_1 : vector<16xf32> to vector<1x16xf32>
    tpu.vector_store %arg9[%swap3A_614, %swap3A_615], %swap3A_618 {strides = array<i32>} : memref<16x128xf32, #tpu.memory_space<vmem>>, vector<1x16xf32>,
    %swap3A_619 = arith.constant 12 : i32
    %swap3A_620 = arith.index_cast %swap3A_619 : i32 to index
    %swap3A_621 = arith.constant 112 : index
    %swap3A_622 = tpu.vector_load %arg9[%swap3A_620, %swap3A_621] {strides = array<i32>} : memref<16x128xf32, #tpu.memory_space<vmem>>, vector<1x16xf32>,
    %swap3A_623 = vector.shape_cast %swap3A_622 : vector<1x16xf32> to vector<16xf32>
    %swap3A_624 = vector.shape_cast %broadcast_in_dim3A_1 : vector<16xf32> to vector<1x16xf32>
    tpu.vector_store %arg9[%swap3A_620, %swap3A_621], %swap3A_624 {strides = array<i32>} : memref<16x128xf32, #tpu.memory_space<vmem>>, vector<1x16xf32>,
    %swap3A_625 = arith.constant 13 : i32
    %swap3A_626 = arith.index_cast %swap3A_625 : i32 to index
    %swap3A_627 = arith.constant 0 : index
    %swap3A_628 = tpu.vector_load %arg9[%swap3A_626, %swap3A_627] {strides = array<i32>} : memref<16x128xf32, #tpu.memory_space<vmem>>, vector<1x16xf32>,
    %swap3A_629 = vector.shape_cast %swap3A_628 : vector<1x16xf32> to vector<16xf32>
    %swap3A_630 = vector.shape_cast %broadcast_in_dim3A_1 : vector<16xf32> to vector<1x16xf32>
    tpu.vector_store %arg9[%swap3A_626, %swap3A_627], %swap3A_630 {strides = array<i32>} : memref<16x128xf32, #tpu.memory_space<vmem>>, vector<1x16xf32>,
    %swap3A_631 = arith.constant 13 : i32
    %swap3A_632 = arith.index_cast %swap3A_631 : i32 to index
    %swap3A_633 = arith.constant 16 : index
    %swap3A_634 = tpu.vector_load %arg9[%swap3A_632, %swap3A_633] {strides = array<i32>} : memref<16x128xf32, #tpu.memory_space<vmem>>, vector<1x16xf32>,
    %swap3A_635 = vector.shape_cast %swap3A_634 : vector<1x16xf32> to vector<16xf32>
    %swap3A_636 = vector.shape_cast %broadcast_in_dim3A_1 : vector<16xf32> to vector<1x16xf32>
    tpu.vector_store %arg9[%swap3A_632, %swap3A_633], %swap3A_636 {strides = array<i32>} : memref<16x128xf32, #tpu.memory_space<vmem>>, vector<1x16xf32>,
    %swap3A_637 = arith.constant 13 : i32
    %swap3A_638 = arith.index_cast %swap3A_637 : i32 to index
    %swap3A_639 = arith.constant 32 : index
    %swap3A_640 = tpu.vector_load %arg9[%swap3A_638, %swap3A_639] {strides = array<i32>} : memref<16x128xf32, #tpu.memory_space<vmem>>, vector<1x16xf32>,
    %swap3A_641 = vector.shape_cast %swap3A_640 : vector<1x16xf32> to vector<16xf32>
    %swap3A_642 = vector.shape_cast %broadcast_in_dim3A_1 : vector<16xf32> to vector<1x16xf32>
    tpu.vector_store %arg9[%swap3A_638, %swap3A_639], %swap3A_642 {strides = array<i32>} : memref<16x128xf32, #tpu.memory_space<vmem>>, vector<1x16xf32>,
    %swap3A_643 = arith.constant 13 : i32
    %swap3A_644 = arith.index_cast %swap3A_643 : i32 to index
    %swap3A_645 = arith.constant 48 : index
    %swap3A_646 = tpu.vector_load %arg9[%swap3A_644, %swap3A_645] {strides = array<i32>} : memref<16x128xf32, #tpu.memory_space<vmem>>, vector<1x16xf32>,
    %swap3A_647 = vector.shape_cast %swap3A_646 : vector<1x16xf32> to vector<16xf32>
    %swap3A_648 = vector.shape_cast %broadcast_in_dim3A_1 : vector<16xf32> to vector<1x16xf32>
    tpu.vector_store %arg9[%swap3A_644, %swap3A_645], %swap3A_648 {strides = array<i32>} : memref<16x128xf32, #tpu.memory_space<vmem>>, vector<1x16xf32>,
    %swap3A_649 = arith.constant 13 : i32
    %swap3A_650 = arith.index_cast %swap3A_649 : i32 to index
    %swap3A_651 = arith.constant 64 : index
    %swap3A_652 = tpu.vector_load %arg9[%swap3A_650, %swap3A_651] {strides = array<i32>} : memref<16x128xf32, #tpu.memory_space<vmem>>, vector<1x16xf32>,
    %swap3A_653 = vector.shape_cast %swap3A_652 : vector<1x16xf32> to vector<16xf32>
    %swap3A_654 = vector.shape_cast %broadcast_in_dim3A_1 : vector<16xf32> to vector<1x16xf32>
    tpu.vector_store %arg9[%swap3A_650, %swap3A_651], %swap3A_654 {strides = array<i32>} : memref<16x128xf32, #tpu.memory_space<vmem>>, vector<1x16xf32>,
    %swap3A_655 = arith.constant 13 : i32
    %swap3A_656 = arith.index_cast %swap3A_655 : i32 to index
    %swap3A_657 = arith.constant 80 : index
    %swap3A_658 = tpu.vector_load %arg9[%swap3A_656, %swap3A_657] {strides = array<i32>} : memref<16x128xf32, #tpu.memory_space<vmem>>, vector<1x16xf32>,
    %swap3A_659 = vector.shape_cast %swap3A_658 : vector<1x16xf32> to vector<16xf32>
    %swap3A_660 = vector.shape_cast %broadcast_in_dim3A_1 : vector<16xf32> to vector<1x16xf32>
    tpu.vector_store %arg9[%swap3A_656, %swap3A_657], %swap3A_660 {strides = array<i32>} : memref<16x128xf32, #tpu.memory_space<vmem>>, vector<1x16xf32>,
    %swap3A_661 = arith.constant 13 : i32
    %swap3A_662 = arith.index_cast %swap3A_661 : i32 to index
    %swap3A_663 = arith.constant 96 : index
    %swap3A_664 = tpu.vector_load %arg9[%swap3A_662, %swap3A_663] {strides = array<i32>} : memref<16x128xf32, #tpu.memory_space<vmem>>, vector<1x16xf32>,
    %swap3A_665 = vector.shape_cast %swap3A_664 : vector<1x16xf32> to vector<16xf32>
    %swap3A_666 = vector.shape_cast %broadcast_in_dim3A_1 : vector<16xf32> to vector<1x16xf32>
    tpu.vector_store %arg9[%swap3A_662, %swap3A_663], %swap3A_666 {strides = array<i32>} : memref<16x128xf32, #tpu.memory_space<vmem>>, vector<1x16xf32>,
    %swap3A_667 = arith.constant 13 : i32
    %swap3A_668 = arith.index_cast %swap3A_667 : i32 to index
    %swap3A_669 = arith.constant 112 : index
    %swap3A_670 = tpu.vector_load %arg9[%swap3A_668, %swap3A_669] {strides = array<i32>} : memref<16x128xf32, #tpu.memory_space<vmem>>, vector<1x16xf32>,
    %swap3A_671 = vector.shape_cast %swap3A_670 : vector<1x16xf32> to vector<16xf32>
    %swap3A_672 = vector.shape_cast %broadcast_in_dim3A_1 : vector<16xf32> to vector<1x16xf32>
    tpu.vector_store %arg9[%swap3A_668, %swap3A_669], %swap3A_672 {strides = array<i32>} : memref<16x128xf32, #tpu.memory_space<vmem>>, vector<1x16xf32>,
    %swap3A_673 = arith.constant 14 : i32
    %swap3A_674 = arith.index_cast %swap3A_673 : i32 to index
    %swap3A_675 = arith.constant 0 : index
    %swap3A_676 = tpu.vector_load %arg9[%swap3A_674, %swap3A_675] {strides = array<i32>} : memref<16x128xf32, #tpu.memory_space<vmem>>, vector<1x16xf32>,
    %swap3A_677 = vector.shape_cast %swap3A_676 : vector<1x16xf32> to vector<16xf32>
    %swap3A_678 = vector.shape_cast %broadcast_in_dim3A_1 : vector<16xf32> to vector<1x16xf32>
    tpu.vector_store %arg9[%swap3A_674, %swap3A_675], %swap3A_678 {strides = array<i32>} : memref<16x128xf32, #tpu.memory_space<vmem>>, vector<1x16xf32>,
    %swap3A_679 = arith.constant 14 : i32
    %swap3A_680 = arith.index_cast %swap3A_679 : i32 to index
    %swap3A_681 = arith.constant 16 : index
    %swap3A_682 = tpu.vector_load %arg9[%swap3A_680, %swap3A_681] {strides = array<i32>} : memref<16x128xf32, #tpu.memory_space<vmem>>, vector<1x16xf32>,
    %swap3A_683 = vector.shape_cast %swap3A_682 : vector<1x16xf32> to vector<16xf32>
    %swap3A_684 = vector.shape_cast %broadcast_in_dim3A_1 : vector<16xf32> to vector<1x16xf32>
    tpu.vector_store %arg9[%swap3A_680, %swap3A_681], %swap3A_684 {strides = array<i32>} : memref<16x128xf32, #tpu.memory_space<vmem>>, vector<1x16xf32>,
    %swap3A_685 = arith.constant 14 : i32
    %swap3A_686 = arith.index_cast %swap3A_685 : i32 to index
    %swap3A_687 = arith.constant 32 : index
    %swap3A_688 = tpu.vector_load %arg9[%swap3A_686, %swap3A_687] {strides = array<i32>} : memref<16x128xf32, #tpu.memory_space<vmem>>, vector<1x16xf32>,
    %swap3A_689 = vector.shape_cast %swap3A_688 : vector<1x16xf32> to vector<16xf32>
    %swap3A_690 = vector.shape_cast %broadcast_in_dim3A_1 : vector<16xf32> to vector<1x16xf32>
    tpu.vector_store %arg9[%swap3A_686, %swap3A_687], %swap3A_690 {strides = array<i32>} : memref<16x128xf32, #tpu.memory_space<vmem>>, vector<1x16xf32>,
    %swap3A_691 = arith.constant 14 : i32
    %swap3A_692 = arith.index_cast %swap3A_691 : i32 to index
    %swap3A_693 = arith.constant 48 : index
    %swap3A_694 = tpu.vector_load %arg9[%swap3A_692, %swap3A_693] {strides = array<i32>} : memref<16x128xf32, #tpu.memory_space<vmem>>, vector<1x16xf32>,
    %swap3A_695 = vector.shape_cast %swap3A_694 : vector<1x16xf32> to vector<16xf32>
    %swap3A_696 = vector.shape_cast %broadcast_in_dim3A_1 : vector<16xf32> to vector<1x16xf32>
    tpu.vector_store %arg9[%swap3A_692, %swap3A_693], %swap3A_696 {strides = array<i32>} : memref<16x128xf32, #tpu.memory_space<vmem>>, vector<1x16xf32>,
    %swap3A_697 = arith.constant 14 : i32
    %swap3A_698 = arith.index_cast %swap3A_697 : i32 to index
    %swap3A_699 = arith.constant 64 : index
    %swap3A_700 = tpu.vector_load %arg9[%swap3A_698, %swap3A_699] {strides = array<i32>} : memref<16x128xf32, #tpu.memory_space<vmem>>, vector<1x16xf32>,
    %swap3A_701 = vector.shape_cast %swap3A_700 : vector<1x16xf32> to vector<16xf32>
    %swap3A_702 = vector.shape_cast %broadcast_in_dim3A_1 : vector<16xf32> to vector<1x16xf32>
    tpu.vector_store %arg9[%swap3A_698, %swap3A_699], %swap3A_702 {strides = array<i32>} : memref<16x128xf32, #tpu.memory_space<vmem>>, vector<1x16xf32>,
    %swap3A_703 = arith.constant 14 : i32
    %swap3A_704 = arith.index_cast %swap3A_703 : i32 to index
    %swap3A_705 = arith.constant 80 : index
    %swap3A_706 = tpu.vector_load %arg9[%swap3A_704, %swap3A_705] {strides = array<i32>} : memref<16x128xf32, #tpu.memory_space<vmem>>, vector<1x16xf32>,
    %swap3A_707 = vector.shape_cast %swap3A_706 : vector<1x16xf32> to vector<16xf32>
    %swap3A_708 = vector.shape_cast %broadcast_in_dim3A_1 : vector<16xf32> to vector<1x16xf32>
    tpu.vector_store %arg9[%swap3A_704, %swap3A_705], %swap3A_708 {strides = array<i32>} : memref<16x128xf32, #tpu.memory_space<vmem>>, vector<1x16xf32>,
    %swap3A_709 = arith.constant 14 : i32
    %swap3A_710 = arith.index_cast %swap3A_709 : i32 to index
    %swap3A_711 = arith.constant 96 : index
    %swap3A_712 = tpu.vector_load %arg9[%swap3A_710, %swap3A_711] {strides = array<i32>} : memref<16x128xf32, #tpu.memory_space<vmem>>, vector<1x16xf32>,
    %swap3A_713 = vector.shape_cast %swap3A_712 : vector<1x16xf32> to vector<16xf32>
    %swap3A_714 = vector.shape_cast %broadcast_in_dim3A_1 : vector<16xf32> to vector<1x16xf32>
    tpu.vector_store %arg9[%swap3A_710, %swap3A_711], %swap3A_714 {strides = array<i32>} : memref<16x128xf32, #tpu.memory_space<vmem>>, vector<1x16xf32>,
    %swap3A_715 = arith.constant 14 : i32
    %swap3A_716 = arith.index_cast %swap3A_715 : i32 to index
    %swap3A_717 = arith.constant 112 : index
    %swap3A_718 = tpu.vector_load %arg9[%swap3A_716, %swap3A_717] {strides = array<i32>} : memref<16x128xf32, #tpu.memory_space<vmem>>, vector<1x16xf32>,
    %swap3A_719 = vector.shape_cast %swap3A_718 : vector<1x16xf32> to vector<16xf32>
    %swap3A_720 = vector.shape_cast %broadcast_in_dim3A_1 : vector<16xf32> to vector<1x16xf32>
    tpu.vector_store %arg9[%swap3A_716, %swap3A_717], %swap3A_720 {strides = array<i32>} : memref<16x128xf32, #tpu.memory_space<vmem>>, vector<1x16xf32>,
    %swap3A_721 = arith.constant 15 : i32
    %swap3A_722 = arith.index_cast %swap3A_721 : i32 to index
    %swap3A_723 = arith.constant 0 : index
    %swap3A_724 = tpu.vector_load %arg9[%swap3A_722, %swap3A_723] {strides = array<i32>} : memref<16x128xf32, #tpu.memory_space<vmem>>, vector<1x16xf32>,
    %swap3A_725 = vector.shape_cast %swap3A_724 : vector<1x16xf32> to vector<16xf32>
    %swap3A_726 = vector.shape_cast %broadcast_in_dim3A_1 : vector<16xf32> to vector<1x16xf32>
    tpu.vector_store %arg9[%swap3A_722, %swap3A_723], %swap3A_726 {strides = array<i32>} : memref<16x128xf32, #tpu.memory_space<vmem>>, vector<1x16xf32>,
    %swap3A_727 = arith.constant 15 : i32
    %swap3A_728 = arith.index_cast %swap3A_727 : i32 to index
    %swap3A_729 = arith.constant 16 : index
    %swap3A_730 = tpu.vector_load %arg9[%swap3A_728, %swap3A_729] {strides = array<i32>} : memref<16x128xf32, #tpu.memory_space<vmem>>, vector<1x16xf32>,
    %swap3A_731 = vector.shape_cast %swap3A_730 : vector<1x16xf32> to vector<16xf32>
    %swap3A_732 = vector.shape_cast %broadcast_in_dim3A_1 : vector<16xf32> to vector<1x16xf32>
    tpu.vector_store %arg9[%swap3A_728, %swap3A_729], %swap3A_732 {strides = array<i32>} : memref<16x128xf32, #tpu.memory_space<vmem>>, vector<1x16xf32>,
    %swap3A_733 = arith.constant 15 : i32
    %swap3A_734 = arith.index_cast %swap3A_733 : i32 to index
    %swap3A_735 = arith.constant 32 : index
    %swap3A_736 = tpu.vector_load %arg9[%swap3A_734, %swap3A_735] {strides = array<i32>} : memref<16x128xf32, #tpu.memory_space<vmem>>, vector<1x16xf32>,
    %swap3A_737 = vector.shape_cast %swap3A_736 : vector<1x16xf32> to vector<16xf32>
    %swap3A_738 = vector.shape_cast %broadcast_in_dim3A_1 : vector<16xf32> to vector<1x16xf32>
    tpu.vector_store %arg9[%swap3A_734, %swap3A_735], %swap3A_738 {strides = array<i32>} : memref<16x128xf32, #tpu.memory_space<vmem>>, vector<1x16xf32>,
    %swap3A_739 = arith.constant 15 : i32
    %swap3A_740 = arith.index_cast %swap3A_739 : i32 to index
    %swap3A_741 = arith.constant 48 : index
    %swap3A_742 = tpu.vector_load %arg9[%swap3A_740, %swap3A_741] {strides = array<i32>} : memref<16x128xf32, #tpu.memory_space<vmem>>, vector<1x16xf32>,
    %swap3A_743 = vector.shape_cast %swap3A_742 : vector<1x16xf32> to vector<16xf32>
    %swap3A_744 = vector.shape_cast %broadcast_in_dim3A_1 : vector<16xf32> to vector<1x16xf32>
    tpu.vector_store %arg9[%swap3A_740, %swap3A_741], %swap3A_744 {strides = array<i32>} : memref<16x128xf32, #tpu.memory_space<vmem>>, vector<1x16xf32>,
    %swap3A_745 = arith.constant 15 : i32
    %swap3A_746 = arith.index_cast %swap3A_745 : i32 to index
    %swap3A_747 = arith.constant 64 : index
    %swap3A_748 = tpu.vector_load %arg9[%swap3A_746, %swap3A_747] {strides = array<i32>} : memref<16x128xf32, #tpu.memory_space<vmem>>, vector<1x16xf32>,
    %swap3A_749 = vector.shape_cast %swap3A_748 : vector<1x16xf32> to vector<16xf32>
    %swap3A_750 = vector.shape_cast %broadcast_in_dim3A_1 : vector<16xf32> to vector<1x16xf32>
    tpu.vector_store %arg9[%swap3A_746, %swap3A_747], %swap3A_750 {strides = array<i32>} : memref<16x128xf32, #tpu.memory_space<vmem>>, vector<1x16xf32>,
    %swap3A_751 = arith.constant 15 : i32
    %swap3A_752 = arith.index_cast %swap3A_751 : i32 to index
    %swap3A_753 = arith.constant 80 : index
    %swap3A_754 = tpu.vector_load %arg9[%swap3A_752, %swap3A_753] {strides = array<i32>} : memref<16x128xf32, #tpu.memory_space<vmem>>, vector<1x16xf32>,
    %swap3A_755 = vector.shape_cast %swap3A_754 : vector<1x16xf32> to vector<16xf32>
    %swap3A_756 = vector.shape_cast %broadcast_in_dim3A_1 : vector<16xf32> to vector<1x16xf32>
    tpu.vector_store %arg9[%swap3A_752, %swap3A_753], %swap3A_756 {strides = array<i32>} : memref<16x128xf32, #tpu.memory_space<vmem>>, vector<1x16xf32>,
    %swap3A_757 = arith.constant 15 : i32
    %swap3A_758 = arith.index_cast %swap3A_757 : i32 to index
    %swap3A_759 = arith.constant 96 : index
    %swap3A_760 = tpu.vector_load %arg9[%swap3A_758, %swap3A_759] {strides = array<i32>} : memref<16x128xf32, #tpu.memory_space<vmem>>, vector<1x16xf32>,
    %swap3A_761 = vector.shape_cast %swap3A_760 : vector<1x16xf32> to vector<16xf32>
    %swap3A_762 = vector.shape_cast %broadcast_in_dim3A_1 : vector<16xf32> to vector<1x16xf32>
    tpu.vector_store %arg9[%swap3A_758, %swap3A_759], %swap3A_762 {strides = array<i32>} : memref<16x128xf32, #tpu.memory_space<vmem>>, vector<1x16xf32>,
    %swap3A_763 = arith.constant 15 : i32
    %swap3A_764 = arith.index_cast %swap3A_763 : i32 to index
    %swap3A_765 = arith.constant 112 : index
    %swap3A_766 = tpu.vector_load %arg9[%swap3A_764, %swap3A_765] {strides = array<i32>} : memref<16x128xf32, #tpu.memory_space<vmem>>, vector<1x16xf32>,
    %swap3A_767 = vector.shape_cast %swap3A_766 : vector<1x16xf32> to vector<16xf32>
    %swap3A_768 = vector.shape_cast %broadcast_in_dim3A_1 : vector<16xf32> to vector<1x16xf32>
    tpu.vector_store %arg9[%swap3A_764, %swap3A_765], %swap3A_768 {strides = array<i32>} : memref<16x128xf32, #tpu.memory_space<vmem>>, vector<1x16xf32>,
    %scan3A = arith.constant 0 : i32
    %scan3A_769 = arith.constant 0 : i32
    %scan3A_770 = arith.constant 40 : i32
    %scan3A_771 = arith.addi %scan3A_769, %scan3A_770 : i32
    %scan3A_772 = arith.constant 1 : i32
    %scan3A_773 = scf.for %scan3A_790 = %scan3A_769 to %scan3A_771 step %scan3A_772 iter_args(%scan3A_791 = %scan3A) -> (i32)  : i32 {
      %mul3A_792 = arith.constant 640 : i32
      %mul3A_793 = arith.muli %arg1, %mul3A_792 : i32
      %mul3A_794 = arith.constant 16 : i32
      %mul3A_795 = arith.muli %scan3A_790, %mul3A_794 : i32
      %add3A_796 = arith.addi %mul3A_793, %mul3A_795 : i32
      "tpu.region"() ({
        %run_scoped3A = tpu.sem_alloc : memref<!tpu.dma_semaphore, #tpu.memory_space<semaphore_mem>>
        %dma_start3A = arith.constant 0 : i32
        %dma_start3A_798 = tpu.memref_slice %arg10[%add3A_796, %dma_start3A] : memref<10240x128xf32, #tpu.memory_space<vmem_shared>> -> memref<16x128xf32, #tpu.memory_space<vmem_shared>>
        %dma_start3A_799 = arith.constant 0 : i32
        %dma_start3A_800 = tpu.memref_slice %arg10[%add3A_796, %dma_start3A_799] : memref<10240x128xf32, #tpu.memory_space<vmem_shared>> -> memref<16x128xf32, #tpu.memory_space<vmem_shared>>
        tpu.enqueue_dma source(%arg9 : memref<16x128xf32, #tpu.memory_space<vmem>>) target(%dma_start3A_800 : memref<16x128xf32, #tpu.memory_space<vmem_shared>>) target_semaphore(%run_scoped3A : memref<!tpu.dma_semaphore, #tpu.memory_space<semaphore_mem>>)
        %dma_wait3A = arith.constant 0 : i32
        %dma_wait3A_801 = tpu.memref_slice %arg10[%add3A_796, %dma_wait3A] : memref<10240x128xf32, #tpu.memory_space<vmem_shared>> -> memref<16x128xf32, #tpu.memory_space<vmem_shared>>
        %dma_wait3A_802 = arith.constant 0 : i32
        %dma_wait3A_803 = tpu.memref_slice %arg10[%add3A_796, %dma_wait3A_802] : memref<10240x128xf32, #tpu.memory_space<vmem_shared>> -> memref<16x128xf32, #tpu.memory_space<vmem_shared>>
        tpu.wait_dma2 semaphore(%run_scoped3A : memref<!tpu.dma_semaphore, #tpu.memory_space<semaphore_mem>>) src(%arg9 : memref<16x128xf32, #tpu.memory_space<vmem>>) dst(%dma_wait3A_803 : memref<16x128xf32, #tpu.memory_space<vmem_shared>>)
        tpu.yield
      }) : () -> ()
      %scan3A_797 = arith.constant 0 : i32
      scf.yield %scan3A_797 : i32
    }
    %scan3A_774 = arith.constant 40 : i32
    %barrier3A = arith.constant 0 : index
    tpu.barrier barrier_id(%barrier3A)
    %scan3A_775 = arith.constant 0 : i32
    %scan3A_776 = arith.constant 0 : i32
    %scan3A_777 = arith.constant 36 : i32
    %scan3A_778 = arith.addi %scan3A_776, %scan3A_777 : i32
    %scan3A_779 = arith.constant 1 : i32
    %scan3A_780 = scf.for %scan3A_790 = %scan3A_776 to %scan3A_778 step %scan3A_779 iter_args(%scan3A_791 = %scan3A_775) -> (i32)  : i32 {
      %mul3A_792 = arith.constant 2880 : i32
      %mul3A_793 = arith.muli %add3A, %mul3A_792 : i32
      %mul3A_794 = arith.constant 80 : i32
      %mul3A_795 = arith.muli %scan3A_790, %mul3A_794 : i32
      %add3A_796 = arith.addi %mul3A_793, %mul3A_795 : i32
      "tpu.region"() ({
        %run_scoped3A = tpu.sem_alloc : memref<!tpu.dma_semaphore, #tpu.memory_space<semaphore_mem>>
        %dma_start3A_802 = tpu.memref_slice %arg3[%add3A_796] : memref<92160xi32, #tpu.memory_space<hbm>> -> memref<80xi32, #tpu.memory_space<hbm>>
        %dma_start3A_803 = tpu.memref_slice %arg3[%add3A_796] : memref<92160xi32, #tpu.memory_space<hbm>> -> memref<80xi32, #tpu.memory_space<hbm>>
        tpu.enqueue_dma source(%dma_start3A_803 : memref<80xi32, #tpu.memory_space<hbm>>) target(%arg6 : memref<80xi32, #tpu.memory_space<vmem>>) target_semaphore(%run_scoped3A : memref<!tpu.dma_semaphore, #tpu.memory_space<semaphore_mem>>)
        %dma_wait3A_804 = tpu.memref_slice %arg3[%add3A_796] : memref<92160xi32, #tpu.memory_space<hbm>> -> memref<80xi32, #tpu.memory_space<hbm>>
        %dma_wait3A_805 = tpu.memref_slice %arg3[%add3A_796] : memref<92160xi32, #tpu.memory_space<hbm>> -> memref<80xi32, #tpu.memory_space<hbm>>
        tpu.wait_dma2 semaphore(%run_scoped3A : memref<!tpu.dma_semaphore, #tpu.memory_space<semaphore_mem>>) src(%dma_wait3A_805 : memref<80xi32, #tpu.memory_space<hbm>>) dst(%arg6 : memref<80xi32, #tpu.memory_space<vmem>>)
        tpu.yield
      }) : () -> ()
      "tpu.region"() ({
        %run_scoped3A = tpu.sem_alloc : memref<!tpu.dma_semaphore, #tpu.memory_space<semaphore_mem>>
        %dma_start3A_802 = tpu.memref_slice %arg4[%add3A_796] : memref<92160xi32, #tpu.memory_space<hbm>> -> memref<80xi32, #tpu.memory_space<hbm>>
        %dma_start3A_803 = tpu.memref_slice %arg4[%add3A_796] : memref<92160xi32, #tpu.memory_space<hbm>> -> memref<80xi32, #tpu.memory_space<hbm>>
        tpu.enqueue_dma source(%dma_start3A_803 : memref<80xi32, #tpu.memory_space<hbm>>) target(%arg7 : memref<80xi32, #tpu.memory_space<vmem>>) target_semaphore(%run_scoped3A : memref<!tpu.dma_semaphore, #tpu.memory_space<semaphore_mem>>)
        %dma_wait3A_804 = tpu.memref_slice %arg4[%add3A_796] : memref<92160xi32, #tpu.memory_space<hbm>> -> memref<80xi32, #tpu.memory_space<hbm>>
        %dma_wait3A_805 = tpu.memref_slice %arg4[%add3A_796] : memref<92160xi32, #tpu.memory_space<hbm>> -> memref<80xi32, #tpu.memory_space<hbm>>
        tpu.wait_dma2 semaphore(%run_scoped3A : memref<!tpu.dma_semaphore, #tpu.memory_space<semaphore_mem>>) src(%dma_wait3A_805 : memref<80xi32, #tpu.memory_space<hbm>>) dst(%arg7 : memref<80xi32, #tpu.memory_space<vmem>>)
        tpu.yield
      }) : () -> ()
      %dma_start3A = arith.constant 0 : i32
      %dma_start3A_797 = arith.constant 0 : i32
      %dma_start3A_798 = tpu.memref_slice %arg2[%dma_start3A, %dma_start3A_797] : memref<900x128xf32, #tpu.memory_space<hbm>> -> memref<900x128xf32, #tpu.memory_space<hbm>>
      tpu.enqueue_indirect_dma source(%dma_start3A_798 : memref<900x128xf32, #tpu.memory_space<hbm>>) target(%arg8 : memref<80x128xf32, #tpu.memory_space<vmem>>) offsets(%arg6 : memref<80xi32, #tpu.memory_space<vmem>>) semaphore(%arg11 : memref<!tpu.dma_semaphore, #tpu.memory_space<semaphore_mem>>)
      %dma_wait3A = arith.constant 0 : i32
      %dma_wait3A_799 = arith.constant 0 : i32
      %dma_wait3A_800 = tpu.memref_slice %arg2[%dma_wait3A, %dma_wait3A_799] : memref<900x128xf32, #tpu.memory_space<hbm>> -> memref<900x128xf32, #tpu.memory_space<hbm>>
      tpu.wait_indirect_dma semaphore(%arg11 : memref<!tpu.dma_semaphore, #tpu.memory_space<semaphore_mem>>) src(%dma_wait3A_800 : memref<900x128xf32, #tpu.memory_space<hbm>>) dst(%arg8 : memref<80x128xf32, #tpu.memory_space<vmem>>)
      "tpu.region"() ({
        %run_scoped3A = tpu.sem_alloc : memref<!tpu.dma_semaphore, #tpu.memory_space<semaphore_mem>>
        %dma_start3A_802 = arith.constant 0 : i32
        %dma_start3A_803 = arith.constant 0 : i32
        %dma_start3A_804 = tpu.memref_slice %arg10[%dma_start3A_802, %dma_start3A_803] : memref<10240x128xf32, #tpu.memory_space<vmem_shared>> -> memref<10240x128xf32, #tpu.memory_space<vmem_shared>>
        tpu.enqueue_indirect_dma source(%arg8 : memref<80x128xf32, #tpu.memory_space<vmem>>) target(%dma_start3A_804 : memref<10240x128xf32, #tpu.memory_space<vmem_shared>>) offsets(%arg7 : memref<80xi32, #tpu.memory_space<vmem>>) semaphore(%run_scoped3A : memref<!tpu.dma_semaphore, #tpu.memory_space<semaphore_mem>>) {add = true}
        %dma_wait3A_805 = arith.constant 0 : i32
        %dma_wait3A_806 = arith.constant 0 : i32
        %dma_wait3A_807 = tpu.memref_slice %arg10[%dma_wait3A_805, %dma_wait3A_806] : memref<10240x128xf32, #tpu.memory_space<vmem_shared>> -> memref<10240x128xf32, #tpu.memory_space<vmem_shared>>
        tpu.wait_indirect_dma semaphore(%run_scoped3A : memref<!tpu.dma_semaphore, #tpu.memory_space<semaphore_mem>>) src(%arg8 : memref<80x128xf32, #tpu.memory_space<vmem>>) dst(%dma_wait3A_807 : memref<10240x128xf32, #tpu.memory_space<vmem_shared>>)
        tpu.yield
      }) : () -> ()
      %scan3A_801 = arith.constant 0 : i32
      scf.yield %scan3A_801 : i32
    }
    %scan3A_781 = arith.constant 36 : i32
    %barrier3A_782 = arith.constant 0 : index
    tpu.barrier barrier_id(%barrier3A_782)
    %mul3A_783 = arith.constant 640 : i32
    %mul3A_784 = arith.muli %arg1, %mul3A_783 : i32
    %mul3A_785 = arith.constant 10240 : i32
    %mul3A_786 = arith.muli %arg0, %mul3A_785 : i32
    %mul3A_787 = arith.constant 640 : i32
    %mul3A_788 = arith.muli %arg1, %mul3A_787 : i32
    %add3A_789 = arith.addi %mul3A_786, %mul3A_788 : i32
    "tpu.region"() ({
      %run_scoped3A = tpu.sem_alloc : memref<!tpu.dma_semaphore, #tpu.memory_space<semaphore_mem>>
      %dma_start3A = arith.constant 0 : i32
      %dma_start3A_790 = tpu.memref_slice %arg5[%add3A_789, %dma_start3A] : memref<20480x128xf32, #tpu.memory_space<hbm>> -> memref<640x128xf32, #tpu.memory_space<hbm>>
      %dma_start3A_791 = arith.constant 0 : i32
      %dma_start3A_792 = tpu.memref_slice %arg10[%mul3A_784, %dma_start3A_791] : memref<10240x128xf32, #tpu.memory_space<vmem_shared>> -> memref<640x128xf32, #tpu.memory_space<vmem_shared>>
      tpu.enqueue_dma source(%dma_start3A_792 : memref<640x128xf32, #tpu.memory_space<vmem_shared>>) target(%dma_start3A_790 : memref<640x128xf32, #tpu.memory_space<hbm>>) target_semaphore(%run_scoped3A : memref<!tpu.dma_semaphore, #tpu.memory_space<semaphore_mem>>)
      %dma_wait3A = arith.constant 0 : i32
      %dma_wait3A_793 = tpu.memref_slice %arg5[%add3A_789, %dma_wait3A] : memref<20480x128xf32, #tpu.memory_space<hbm>> -> memref<640x128xf32, #tpu.memory_space<hbm>>
      %dma_wait3A_794 = arith.constant 0 : i32
      %dma_wait3A_795 = tpu.memref_slice %arg10[%mul3A_784, %dma_wait3A_794] : memref<10240x128xf32, #tpu.memory_space<vmem_shared>> -> memref<640x128xf32, #tpu.memory_space<vmem_shared>>
      tpu.wait_dma2 semaphore(%run_scoped3A : memref<!tpu.dma_semaphore, #tpu.memory_space<semaphore_mem>>) src(%dma_wait3A_795 : memref<640x128xf32, #tpu.memory_space<vmem_shared>>) dst(%dma_wait3A_793 : memref<640x128xf32, #tpu.memory_space<hbm>>)
      tpu.yield
    }) : () -> ()
    return
  }
}

</mosaic_0001>

<sc_bundles>
// kernel: _sc_seg_sum.3.cloned.1.call-start
scs
__scs_entry_jumppad:
0x0: {  	(pc) =	sbr.rel $0x88, $3  }
0x1: {  	(tag) =	ssettag $0x0;
	lr =	simm.s32 $0x1  }
0x2: {  	[smem:$0x3F9E] =	sst lr;
	_ =	strace $0xD0000000  }
0x3: {  	_ = 	snop  }
0x4: {  	_ = 	snop  }
0x5: {  	_ = 	snop  }
0x6: {  	_ = 	snop  }
0x7: {  	_ = 	snop  }
__scs_overlays_trampoline_lowered:
0x8: {  	[smem:$0x3FAD] =	sst s0  }
0x9: {  	[smem:$0x3FAE] =	sst s1  }
0xa: {  	[smem:$0x3FAF] =	sst s2  }
0xb: {  	[smem:$0x3FB0] =	sst s3  }
0xc: {  	[smem:$0x3FB1] =	sst s4  }
0xd: {  	[smem:$0x3FB2] =	sst s5  }
0xe: {  	[smem:$0x3FB3] =	sst s6  }
0xf: {  	[smem:$0x3FB4] =	sst s7  }
0x10: {  	[smem:$0x3FB5] =	sst s8  }
0x11: {  	[smem:$0x3FB6] =	sst s9;
	s0 =	simm.s32 @!p0 $0x0  }
0x12: {  	s1 =	sld [smem:$0x3F9C];
	s0 =	simm.s32 @p0 $0x1  }
0x13: {  	[smem:$0x3FB7] =	sst s0;
	s0 =	simm.s32 @!p1 $0x0  }
0x14: {  	s2 =	sld [smem:$0x3F9B];
	s0 =	simm.s32 @p1 $0x1  }
0x15: {  	[smem:$0x3FB8] =	sst s0;
	s0 =	simm.s32 @!p2 $0x0  }
0x16: {  	s3 =	sld [smem:$0x3FDB];
	s0 =	simm.s32 @p2 $0x1  }
0x17: {  	s4 =	simm.s32 $0x1BF5;
	[smem:$0x3FBA] =	sst s0  }
0x18: {  	s0 =	sld [smem:$0x3F9D];
	_ =	swait.ge [sflag:s4], $0x0  }
0x19: {  	s7 =	sld [smem:$0x3F9E]  }
0x1a: {  	s8 =	sadd.s32 $0xFFFFE003, lr  }
0x1b: {  	s9 =	sadd.s32 $0xFFFFFEF7, lr;
	s5 =	simm.s32 $0xFFFFFFFF;
	p2 =	slt.u32 s8, $0xFFFFF086  }
0x1c: {  	p1 =	slt.u32 s9, $0xF7A;
	s5 =	simm.s32 @!p2 $0x0  }
0x1d: {  	s5 =	simm.s32 @p1 $0x1;
	p0 =	seq.s32 s7, s2  }
0x1e: {  	s7 =	smul.u32 @!p0 $0xF7A, s2;
	p2 =	seq.s32 @!p0 s5, $0x0  }
0x1f: {  	s9 =	smul.u32 $0xF7A, s1;
	s8 =	simm.s32 @!p0 $0x1BF5;
	p2 =	por !p2, p0  }
0x20: {  	[sflag:s8] =	ssyncset.s32 @!p0 $0xFFFFF086;
	s6 =	sadd.s32 @!p0 s3, s7;
	s7 =	simm.s32 @!p0 $0x108  }
0x21: {  	s3 =	sadd.s32 s3, s9;
	s6 =	sadd.s32 @!p0 $0x88, s6;
	s7 =	simm.s32 @p2 $0x1082  }
0x22: {  	[simem:s7], [sflag:s8] =	dma.local @!p0 [hbm:s6], $0xF7A  }
0x23: {  	s9 =	sor.u32 $0xD0000000, s2;
	s6 =	simm.s32 $0x108;
	_ =	swait.ge @!p0 [sflag:s8], $0x0  }
0x24: {  	s3 =	sadd.s32 $0x88, s3;
	s6 =	simm.s32 @!p1 $0x1082;
	[sflag:s4] =	ssyncset.s32 $0xFFFFF086  }
0x25: {  	[simem:s6], [sflag:s4] =	dma.local [hbm:s3], $0xF7A  }
0x26: {  	[smem:$0x3F9E] =	sst s1;
	(tag) =	ssettag s2;
	_ =	strace s9  }
0x27: {  	s1 =	sld [smem:$0x3FAE]  }
0x28: {  	s2 =	sld [smem:$0x3FAF]  }
0x29: {  	s4 =	sld [smem:$0x3FB1]  }
0x2a: {  	p0 =	seq.s32 s5, $0x0;
	s5 =	sld [smem:$0x3FB2]  }
0x2b: {  	s6 =	sld [smem:$0x3FB3]  }
0x2c: {  	s7 =	sld [smem:$0x3FB4]  }
0x2d: {  	s3 =	simm.s32 $0x108;
	s8 =	sld [smem:$0x3FB5]  }
0x2e: {  	s3 =	simm.s32 @!p0 $0x1082;
	s9 =	sld [smem:$0x3FB6]  }
0x2f: {  	lr =	sadd.s32 s0, s3;
	s0 =	sld [smem:$0x3FAD]  }
0x30: {  	s3 =	sld [smem:$0x3FB0]  }
0x31: {  	[smem:$0x3FB9] =	sst s10  }
0x32: {  	s10 =	sld [smem:$0x3FB7];
	_ =	sdelay $0x3  }
0x33: {  	p0 =	seq.s32 s10, $0x1;
	s10 =	sld [smem:$0x3FB9];
	_ =	sdelay $0x3  }
0x34: {  	[smem:$0x3FB9] =	sst s10  }
0x35: {  	s10 =	sld [smem:$0x3FB8];
	_ =	sdelay $0x3  }
0x36: {  	p1 =	seq.s32 s10, $0x1;
	s10 =	sld [smem:$0x3FB9];
	_ =	sdelay $0x3  }
0x37: {  	[smem:$0x3FB9] =	sst s10  }
0x38: {  	s10 =	sld [smem:$0x3FBA]  }
0x39: {  	_ = 	snop;
	(pc) =	sbr.ind lr, $3  }
0x3a: {  	_ = 	snop  }
0x3b: {  	_ = 	snop  }
0x3c: {  	p2 =	seq.s32 s10, $0x1;
	s10 =	sld [smem:$0x3FB9]  }
0x3d: {  	_ =	shalt  }
0x3e: {  	_ =	shalt  }
0x3f: {  	_ =	shalt  }
0x40: {  	_ =	shalt  }
0x41: {  	_ =	shalt  }
0x42: {  	_ =	shalt  }
0x43: {  	_ =	shalt  }
0x44: {  	_ =	shalt  }
0x45: {  	_ =	shalt  }
0x46: {  	_ =	shalt  }
0x47: {  	_ =	shalt  }
0x48: {  	_ =	shalt  }
0x49: {  	_ =	shalt  }
0x4a: {  	_ =	shalt  }
0x4b: {  	_ =	shalt  }
0x4c: {  	_ =	shalt  }
0x4d: {  	_ =	shalt  }
0x4e: {  	_ =	shalt  }
0x4f: {  	_ =	shalt  }
0x50: {  	_ =	shalt  }
0x51: {  	_ =	shalt  }
0x52: {  	_ =	shalt  }
0x53: {  	_ =	shalt  }
0x54: {  	_ =	shalt  }
0x55: {  	_ =	shalt  }
0x56: {  	_ =	shalt  }
0x57: {  	_ =	shalt  }
0x58: {  	_ =	shalt  }
0x59: {  	_ =	shalt  }
0x5a: {  	_ =	shalt  }
0x5b: {  	_ =	shalt  }
0x5c: {  	_ =	shalt  }
0x5d: {  	_ =	shalt  }
0x5e: {  	_ =	shalt  }
0x5f: {  	_ =	shalt  }
0x60: {  	_ =	shalt  }
0x61: {  	_ =	shalt  }
0x62: {  	_ =	shalt  }
0x63: {  	_ =	shalt  }
0x64: {  	_ =	shalt  }
0x65: {  	_ =	shalt  }
0x66: {  	_ =	shalt  }
0x67: {  	_ =	shalt  }
0x68: {  	_ =	shalt  }
0x69: {  	_ =	shalt  }
0x6a: {  	_ =	shalt  }
0x6b: {  	_ =	shalt  }
0x6c: {  	_ =	shalt  }
0x6d: {  	_ =	shalt  }
0x6e: {  	_ =	shalt  }
0x6f: {  	_ =	shalt  }
0x70: {  	_ =	shalt  }
0x71: {  	_ =	shalt  }
0x72: {  	_ =	shalt  }
0x73: {  	_ =	shalt  }
0x74: {  	_ =	shalt  }
0x75: {  	_ =	shalt  }
0x76: {  	_ =	shalt  }
0x77: {  	_ =	shalt  }
0x78: {  	_ =	shalt  }
0x79: {  	_ =	shalt  }
0x7a: {  	_ =	shalt  }
0x7b: {  	_ =	shalt  }
0x7c: {  	_ =	shalt  }
0x7d: {  	_ =	shalt  }
0x7e: {  	_ =	shalt  }
0x7f: {  	_ =	shalt  }
0x80: {  	_ =	shalt  }
0x81: {  	_ =	shalt  }
0x82: {  	_ =	shalt  }
0x83: {  	_ =	shalt  }
0x84: {  	_ =	shalt  }
0x85: {  	_ =	shalt  }
0x86: {  	_ =	shalt  }
0x87: {  	_ =	shalt  }
.Lfunc_end0:
.L_simem_size_0:
called_computation_lowered:
.L_overlay_start_0:
0x88: {  	s2 =	sld [smem:$0x3FD9]  }
0x89: {  	s3 =	sld [smem:$0x3FFE];
	_ =	sdelay $0x1  }
0x8a: {  	s1 =	srdreg.scid  }
0x8b: {  	s0 =	sand.u32 $0x1, s1  }
0x8c: {  	s18 =	sshll.u32 s0, $0xA;
	s2 =	sadd.s32 s3, s2  }
0x8d: {  	s2 =	sadd.s32 s2, s18  }
0x8e: {  	[smem:$0x3FC5] =	sst s2  }
0x8f: {  	_ = 	snop  }
0x90: {  	s2 =	sld [smem:$0x3FC9]  }
0x91: {  	s19 =	sld [smem:$0x3FC8]  }
0x92: {  	s4 =	sld [smem:$0x3FC7]  }
0x93: {  	s5 =	sld [smem:$0x3FD0];
	(tm) =	ssettm $0x1  }
0x94: {  	s6 =	sld [smem:$0x3FFB];
	_ =	sdelay $0x3  }
0x95: {  	_ =	strace s6  }
0x96: {  	s6 =	sld [smem:$0x3FFC];
	_ =	sdelay $0x3  }
0x97: {  	_ =	strace s6  }
0x98: {  	s6 =	sld [smem:$0x3FFD];
	_ =	sdelay $0x3  }
0x99: {  	_ =	strace s6  }
0x9a: {  	_ =	strace $0x8FFFFFFF  }
0x9b: {  	s20 =	sld [smem:$0x3FDB];
	_ =	sdelay $0x1  }
0x9c: {  	s7 =	simm.s32 $_scs_section_size  }
0x9d: {  	s8 =	simm.s32 $_size__tile_overlayer_lowered;
	s9 =	simm.s32 $_tile_overlayer_lowered  }
0x9e: {  	s23 =	simm.s32 $0x1BFF;
	s22 =	sshll.u32 s9, $0x1;
	s6 =	sadd.s32 s7, s20  }
0x9f: {  	s10 =	simm.s32 $0x0;
	s21 =	sshll.u32 s8, $0x1;
	s8 =	sadd.s32 s22, s6  }
0xa0: {  	[timem:s10], [sflag:s23] =	dma.local [hbm:s8], s21  }
0xa1: {  	_ =	swait.ge [sflag:s23], s21  }
0xa2: {  	s7 =	ssub.s32 $0x0, s21;
	[sflag:s23] =	ssyncset.done $0x0  }
0xa3: {  	[sflag:s23] =	ssyncadd.s32 s7;
	_ =	sdelay $0x1  }
0xa4: {  	s24 =	simm.s32 $0x1B8B  }
0xa5: {  	_ =	swait.ge [sflag:s24], $0x1  }
0xa6: {  	[sflag:s24] =	ssyncset.done $0x0  }
0xa7: {  	s25 =	simm.s32 $0x1B8E;
	[sflag:s24] =	ssyncadd.s32 $0xFFFFFFFF  }
0xa8: {  	s26 =	simm.s32 $execute0_lowered;
	[smem:$0x3FD2] =	sst s25  }
0xa9: {  	s7 =	sshll.u32 s26, $0x1;
	_ =	strace $0x80000046;
	[dreg:$0x1] =	wrdreg $0xFFFFFFFF  }
0xaa: {  	s28 =	simm.s32 $_size_execute0_lowered;
	s6 =	sadd.s32 s6, s7;
	[dreg:$0x0] =	wrdreg $0x0  }
0xab: {  	s7 =	sshll.u32 s28, $0x1;
	[dreg:$0x2] =	wrdreg s6  }
0xac: {  	[dreg:$0x3] =	wrdreg s7  }
0xad: {  	[dreg:$0x4] =	wrdreg $0xC0  }
0xae: {  	_ =	task [dreg:s10], $0x5FFFF  }
0xaf: {  	[dreg:$0x1] =	wrdreg $0xFFFFFFFF  }
0xb0: {  	[dreg:$0x0] =	wrdreg $0x60  }
0xb1: {  	[dreg:$0x2] =	wrdreg s2  }
0xb2: {  	[dreg:$0x3] =	wrdreg s19  }
0xb3: {  	[dreg:$0x4] =	wrdreg s4  }
0xb4: {  	[dreg:$0x5] =	wrdreg s5  }
0xb5: {  	[dreg:$0x6] =	wrdreg $0x31000  }
0xb6: {  	[dreg:$0x7] =	wrdreg $0x9  }
0xb7: {  	_ =	task.clear_ibuf [dreg:s10], $0x8FFFF;
	_ =	strace $0x90000046  }
0xb8: {  	s29 =	simm.s32 $0x9;
	_ =	strace $0x80000048  }
0xb9: {  	_ =	swait.ge [sflag:s29], $0x1  }
0xba: {  	[sflag:s29] =	ssyncadd.s32 $0xFFFFFFFF  }
0xbb: {  	_ =	strace $0x90000048  }
0xbc: {  	_ =	sfence  }
0xbd: {  	s30 =	sld [smem:$0x0];
	_ =	sdelay $0x2  }
0xbe: {  	s31 =	sshll.u32 s1, $0xD;
	s1 =	sshrl.u32 s1, $0x2  }
0xbf: {  	s3 =	sand.u32 $0x4000, s31;
	s1 =	sadd.s32 s1, s30  }
0xc0: {  	s0 =	sor.u32 s3, s0;
	s1 =	sshll.u32 s1, $0x11  }
0xc1: {  	s0 =	sor.u32 s1, s0  }
0xc2: {  	s0 =	sadd.s32 $0x8F2B, s0  }
0xc3: {  	[sflag:s0] =	ssyncadd.remote.s32 $0x1  }
0xc4: {  	_ =	sfence.sel $0xFFFF  }
0xc5: {  	[dreg:$0x0] =	wrdreg $0xFFFFFFFF;
	(pc) =	sbr.abs _section_cstart, $3  }
0xc6: {  	[dreg:$0x1] =	wrdreg $0xFFFFFFFF  }
0xc7: {  	_ =	task.clear_ibuf [dreg:s10], $0x2FFFF;
	_ =	strace $0x9FFFFFFF  }
0xc8: {  	(tm) =	ssettm $0x7FFFFFFF  }
0xc9: {  	_ =	shalt  }
tec
execute0_lowered:
.L_overlay_start_1:
0x0: {  	(tag) =	ssettag $0x1  }
0x1: {  	s1 =	rddreg [dreg:$0x0]  }
0x2: {  	s9 =	rddreg [dreg:$0x1]  }
0x3: {  	s8 =	rddreg [dreg:$0x2];
	s2 =	srdreg.scid  }
0x4: {  	s0 =	stileid.u32;
	s6 =	rddreg [dreg:$0x3]  }
0x5: {  	s3 =	rddreg [dreg:$0x4];
	s4 =	simm.s32 $0x0;
	s7 =	smul.u32 $0x50000, s0  }
0x6: {  	s15 =	simm.s32 $0x1;
	s18 =	simm.s32 $0x0;
	s11 =	smul.u32 $0x2800, s0  }
0x7: {  	s5 =	sand.u32 $0x1, s2;
	s2 =	rddreg [dreg:$0x5];
	s14 =	smul.u32 $0xB40, s0  }
0x8: {  	[smem:$0x7FF] =	sst s4;
	s16 =	sshll.u32 s0, $0x6;
	s10 =	smul.u32 $0x28000, s5  }
0x9: {  	s12 =	ssub.s32 $0x2, s5;
	s13 =	smul.u32 $0xB400, s5;
	_ =	strace $0x80000047  }
0xa: {  	s16 =	sor.u32 $0x1C02, s16;
	s28 =	sshrl.u32 s12, $0x1;
	s29 =	sshrl.u32 s7, $0x2  }
0xb: {  	s12 =	ssub.s32 s12, s28;
	s5 =	sadd.s32 s29, s3;
	s30 =	sadd.s32 s11, s10  }
0xc: {  	s31 =	sadd.s32 s14, s13;
	s11 =	simm.s32 $0x2;
	s13 =	simm.s32 $0x50  }
0xd: {  	s14 =	simm.s32 $0x100;
	s6 =	sadd.s32 s6, s30;
	s7 =	smax.u32 s12, $0x1  }
0xe: {  	s10 =	sshrl.u32 s31, $0x3;
	s12 =	simm.s32 $0x80;
	s17 =	sshrl.u32 s5, $0x3  }
0xf: {  	v0 =	vimm.f32 $0.0e+00;
	s8 =	sadd.s32 s10, s8;
	s9 =	sadd.s32 s10, s9;
	s10 =	simm.s32 $0x2900  }
.LBB2_1:
0x10: {  	[tilespmem:$0x2900] =	vst v0  }
0x11: {  	[tilespmem:$0x2910] =	vst v0  }
0x12: {  	[tilespmem:$0x2920] =	vst v0  }
0x13: {  	[tilespmem:$0x2930] =	vst v0  }
0x14: {  	[tilespmem:$0x2940] =	vst v0  }
0x15: {  	[tilespmem:$0x2950] =	vst v0  }
0x16: {  	[tilespmem:$0x2960] =	vst v0  }
0x17: {  	[tilespmem:$0x2970] =	vst v0  }
0x18: {  	[tilespmem:$0x2980] =	vst v0  }
0x19: {  	[tilespmem:$0x2990] =	vst v0  }
0x1a: {  	[tilespmem:$0x29A0] =	vst v0  }
0x1b: {  	[tilespmem:$0x29B0] =	vst v0  }
0x1c: {  	[tilespmem:$0x29C0] =	vst v0  }
0x1d: {  	[tilespmem:$0x29D0] =	vst v0  }
0x1e: {  	[tilespmem:$0x29E0] =	vst v0  }
0x1f: {  	[tilespmem:$0x29F0] =	vst v0  }
0x20: {  	[tilespmem:$0x2A00] =	vst v0  }
0x21: {  	[tilespmem:$0x2A10] =	vst v0  }
0x22: {  	[tilespmem:$0x2A20] =	vst v0  }
0x23: {  	[tilespmem:$0x2A30] =	vst v0  }
0x24: {  	[tilespmem:$0x2A40] =	vst v0  }
0x25: {  	[tilespmem:$0x2A50] =	vst v0  }
0x26: {  	[tilespmem:$0x2A60] =	vst v0  }
0x27: {  	[tilespmem:$0x2A70] =	vst v0  }
0x28: {  	[tilespmem:$0x2A80] =	vst v0  }
0x29: {  	[tilespmem:$0x2A90] =	vst v0  }
0x2a: {  	[tilespmem:$0x2AA0] =	vst v0  }
0x2b: {  	[tilespmem:$0x2AB0] =	vst v0  }
0x2c: {  	[tilespmem:$0x2AC0] =	vst v0  }
0x2d: {  	[tilespmem:$0x2AD0] =	vst v0  }
0x2e: {  	[tilespmem:$0x2AE0] =	vst v0  }
0x2f: {  	[tilespmem:$0x2AF0] =	vst v0  }
0x30: {  	[tilespmem:$0x2B00] =	vst v0  }
0x31: {  	[tilespmem:$0x2B10] =	vst v0  }
0x32: {  	[tilespmem:$0x2B20] =	vst v0  }
0x33: {  	[tilespmem:$0x2B30] =	vst v0  }
0x34: {  	[tilespmem:$0x2B40] =	vst v0  }
0x35: {  	[tilespmem:$0x2B50] =	vst v0  }
0x36: {  	[tilespmem:$0x2B60] =	vst v0  }
0x37: {  	[tilespmem:$0x2B70] =	vst v0  }
0x38: {  	[tilespmem:$0x2B80] =	vst v0  }
0x39: {  	[tilespmem:$0x2B90] =	vst v0  }
0x3a: {  	[tilespmem:$0x2BA0] =	vst v0  }
0x3b: {  	[tilespmem:$0x2BB0] =	vst v0  }
0x3c: {  	[tilespmem:$0x2BC0] =	vst v0  }
0x3d: {  	[tilespmem:$0x2BD0] =	vst v0  }
0x3e: {  	[tilespmem:$0x2BE0] =	vst v0  }
0x3f: {  	[tilespmem:$0x2BF0] =	vst v0  }
0x40: {  	[tilespmem:$0x2C00] =	vst v0  }
0x41: {  	[tilespmem:$0x2C10] =	vst v0  }
0x42: {  	[tilespmem:$0x2C20] =	vst v0  }
0x43: {  	[tilespmem:$0x2C30] =	vst v0  }
0x44: {  	[tilespmem:$0x2C40] =	vst v0  }
0x45: {  	[tilespmem:$0x2C50] =	vst v0  }
0x46: {  	[tilespmem:$0x2C60] =	vst v0  }
0x47: {  	[tilespmem:$0x2C70] =	vst v0  }
0x48: {  	[tilespmem:$0x2C80] =	vst v0  }
0x49: {  	[tilespmem:$0x2C90] =	vst v0  }
0x4a: {  	[tilespmem:$0x2CA0] =	vst v0  }
0x4b: {  	[tilespmem:$0x2CB0] =	vst v0  }
0x4c: {  	[tilespmem:$0x2CC0] =	vst v0  }
0x4d: {  	[tilespmem:$0x2CD0] =	vst v0  }
0x4e: {  	[tilespmem:$0x2CE0] =	vst v0  }
0x4f: {  	[tilespmem:$0x2CF0] =	vst v0  }
0x50: {  	[tilespmem:$0x2D00] =	vst v0  }
0x51: {  	[tilespmem:$0x2D10] =	vst v0  }
0x52: {  	[tilespmem:$0x2D20] =	vst v0  }
0x53: {  	[tilespmem:$0x2D30] =	vst v0  }
0x54: {  	[tilespmem:$0x2D40] =	vst v0  }
0x55: {  	[tilespmem:$0x2D50] =	vst v0  }
0x56: {  	[tilespmem:$0x2D60] =	vst v0  }
0x57: {  	[tilespmem:$0x2D70] =	vst v0  }
0x58: {  	[tilespmem:$0x2D80] =	vst v0  }
0x59: {  	[tilespmem:$0x2D90] =	vst v0  }
0x5a: {  	[tilespmem:$0x2DA0] =	vst v0  }
0x5b: {  	[tilespmem:$0x2DB0] =	vst v0  }
0x5c: {  	[tilespmem:$0x2DC0] =	vst v0  }
0x5d: {  	[tilespmem:$0x2DD0] =	vst v0  }
0x5e: {  	[tilespmem:$0x2DE0] =	vst v0  }
0x5f: {  	[tilespmem:$0x2DF0] =	vst v0  }
0x60: {  	[tilespmem:$0x2E00] =	vst v0  }
0x61: {  	[tilespmem:$0x2E10] =	vst v0  }
0x62: {  	[tilespmem:$0x2E20] =	vst v0  }
0x63: {  	[tilespmem:$0x2E30] =	vst v0  }
0x64: {  	[tilespmem:$0x2E40] =	vst v0  }
0x65: {  	[tilespmem:$0x2E50] =	vst v0  }
0x66: {  	[tilespmem:$0x2E60] =	vst v0  }
0x67: {  	[tilespmem:$0x2E70] =	vst v0  }
0x68: {  	[tilespmem:$0x2E80] =	vst v0  }
0x69: {  	[tilespmem:$0x2E90] =	vst v0  }
0x6a: {  	[tilespmem:$0x2EA0] =	vst v0  }
0x6b: {  	[tilespmem:$0x2EB0] =	vst v0  }
0x6c: {  	[tilespmem:$0x2EC0] =	vst v0  }
0x6d: {  	[tilespmem:$0x2ED0] =	vst v0  }
0x6e: {  	[tilespmem:$0x2EE0] =	vst v0  }
0x6f: {  	[tilespmem:$0x2EF0] =	vst v0  }
0x70: {  	[tilespmem:$0x2F00] =	vst v0  }
0x71: {  	[tilespmem:$0x2F10] =	vst v0  }
0x72: {  	[tilespmem:$0x2F20] =	vst v0  }
0x73: {  	[tilespmem:$0x2F30] =	vst v0  }
0x74: {  	[tilespmem:$0x2F40] =	vst v0  }
0x75: {  	[tilespmem:$0x2F50] =	vst v0  }
0x76: {  	[tilespmem:$0x2F60] =	vst v0  }
0x77: {  	[tilespmem:$0x2F70] =	vst v0  }
0x78: {  	[tilespmem:$0x2F80] =	vst v0  }
0x79: {  	[tilespmem:$0x2F90] =	vst v0  }
0x7a: {  	[tilespmem:$0x2FA0] =	vst v0  }
0x7b: {  	[tilespmem:$0x2FB0] =	vst v0  }
0x7c: {  	[tilespmem:$0x2FC0] =	vst v0  }
0x7d: {  	[tilespmem:$0x2FD0] =	vst v0  }
0x7e: {  	[tilespmem:$0x2FE0] =	vst v0  }
0x7f: {  	[tilespmem:$0x2FF0] =	vst v0  }
0x80: {  	[tilespmem:$0x3000] =	vst v0  }
0x81: {  	[tilespmem:$0x3010] =	vst v0  }
0x82: {  	[tilespmem:$0x3020] =	vst v0  }
0x83: {  	[tilespmem:$0x3030] =	vst v0  }
0x84: {  	[tilespmem:$0x3040] =	vst v0  }
0x85: {  	[tilespmem:$0x3050] =	vst v0  }
0x86: {  	[tilespmem:$0x3060] =	vst v0  }
0x87: {  	[tilespmem:$0x3070] =	vst v0  }
0x88: {  	[tilespmem:$0x3080] =	vst v0  }
0x89: {  	[tilespmem:$0x3090] =	vst v0  }
0x8a: {  	[tilespmem:$0x30A0] =	vst v0  }
0x8b: {  	[tilespmem:$0x30B0] =	vst v0  }
0x8c: {  	[tilespmem:$0x30C0] =	vst v0  }
0x8d: {  	[tilespmem:$0x30D0] =	vst v0  }
0x8e: {  	[tilespmem:$0x30E0] =	vst v0  }
0x8f: {  	[tilespmem:$0x30F0] =	vst v0;
	s19 =	sadd.s32 $0x0, s5  }
0x90: {  	[spmem:s19] =	stream.linear.scatter [tilespmem:s10], [sflag:$0x2], $0x800, $0x38;
	[tilespmem:$0x17100] =	vst v63  }
0x91: {  	s19 =	simm.s32 $0x2000;
	_ =	swait.ge [sflag:s11], $0x800  }
.LBB2_2:
0x92: {  	s20 =	sshra.s32 s19, $0x2;
	[sflag:s11] =	ssyncset.done $0x0;
	p0 =	sne.s32 s19, $0x4E000  }
.Ltmp0:
0x93: {  	s20 =	sadd.s32 s20, s5;
	[sflag:s11] =	ssyncadd.s32 $0xFFFFF800;
	(pc) =	sbr.rel @p0 .LBB2_2-.Ltmp0, $3  }
0x94: {  	[spmem:s20] =	stream.linear.scatter [tilespmem:s10], [sflag:$0x2], $0x800, $0x38;
	[tilespmem:$0x17100] =	vst v63  }
0x95: {  	s19 =	sadd.s32 $0x2000, s19;
	_ =	sdelay $0x1  }
0x96: {  	_ =	swait.ge [sflag:s11], $0x800  }
0x97: {  	[sflag:s11] =	ssyncset.done $0x0  }
0x98: {  	[sflag:s11] =	ssyncadd.s32 $0xFFFFF800  }
0x99: {  	s19 =	sadd.s32 $0x0, s9;
	[bflag:$0x0] =	sbarrier.arrive $0xFFFF  }
0x9a: {  	[tilespmem:s4], [sflag:$0x2] =	stream.linear.gather [hbm4b:s19+s4], $0x50, $0x38;
	[tilespmem:$0x17100] =	vst v63  }
0x9b: {  	_ =	swait.ge [sflag:s11], $0x50  }
0x9c: {  	[sflag:s11] =	ssyncset.done $0x0  }
0x9d: {  	s31 =	sadd.s32 $0x0, s8;
	[sflag:s11] =	ssyncadd.s32 $0xFFFFFFB0  }
0x9e: {  	[tilespmem:s12], [sflag:$0x2] =	stream.linear.gather [hbm4b:s31+s4], $0x50, $0x38;
	[tilespmem:$0x17100] =	vst v63  }
0x9f: {  	_ =	swait.ge [sflag:s11], $0x50  }
0xa0: {  	[sflag:s11] =	ssyncset.done $0x0  }
0xa1: {  	[sflag:s11] =	ssyncadd.s32 $0xFFFFFFB0  }
0xa2: {  	[tilespmem:s14], [sflag:$0x1] =	stream.indirect.gather [hbm4b:s1+s13], $0x80, s4, s13, $0xb8;
	[tilespmem:$0x17100] =	vst v63  }
0xa3: {  	_ =	swait.ge [sflag:s15], $0x2800  }
0xa4: {  	[sflag:s15] =	ssyncset.done $0x0  }
0xa5: {  	[sflag:s15] =	ssyncadd.s32 $0xFFFFD800  }
0xa6: {  	[spmem:s3] =	stream.indirect.scatter.add.f32 [tilespmem:s14], [sflag:$0x2], $0x80, s12, s13, $0xb8;
	[tilespmem:$0x17100] =	vst v63  }
0xa7: {  	_ =	swait.ge [sflag:s11], $0x2800  }
0xa8: {  	s20 =	simm.s32 $0x14;
	s19 =	simm.s32 $0xA;
	[sflag:s11] =	ssyncset.done $0x0  }
.LBB2_4:
0xa9: {  	s21 =	sadd.s32 s19, s9  }
0xaa: {  	[sflag:s11] =	ssyncadd.s32 $0xFFFFD800;
	s22 =	smov.u32 s20;
	s23 =	sadd.s32 $0xA, s20  }
0xab: {  	[tilespmem:s4], [sflag:$0x2] =	stream.linear.gather [hbm4b:s21+s4], $0x50, $0x38;
	[tilespmem:$0x17100] =	vst v63  }
0xac: {  	p0 =	sne.s32 s20, $0x15E;
	_ =	swait.ge [sflag:s11], $0x50  }
0xad: {  	[sflag:s11] =	ssyncset.done $0x0  }
0xae: {  	s20 =	sadd.s32 s19, s8;
	s19 =	smov.u32 s22;
	[sflag:s11] =	ssyncadd.s32 $0xFFFFFFB0  }
0xaf: {  	[tilespmem:s12], [sflag:$0x2] =	stream.linear.gather [hbm4b:s20+s4], $0x50, $0x38;
	[tilespmem:$0x17100] =	vst v63  }
0xb0: {  	_ =	swait.ge [sflag:s11], $0x50  }
0xb1: {  	[sflag:s11] =	ssyncset.done $0x0  }
0xb2: {  	[sflag:s11] =	ssyncadd.s32 $0xFFFFFFB0  }
0xb3: {  	[tilespmem:s14], [sflag:$0x1] =	stream.indirect.gather [hbm4b:s1+s13], $0x80, s4, s13, $0xb8;
	[tilespmem:$0x17100] =	vst v63  }
0xb4: {  	_ =	swait.ge [sflag:s15], $0x2800  }
.Ltmp1:
0xb5: {  	[sflag:s15] =	ssyncset.done $0x0;
	(pc) =	sbr.rel @p0 .LBB2_4-.Ltmp1, $4  }
0xb6: {  	[sflag:s15] =	ssyncadd.s32 $0xFFFFD800  }
0xb7: {  	[spmem:s3] =	stream.indirect.scatter.add.f32 [tilespmem:s14], [sflag:$0x2], $0x80, s12, s13, $0xb8;
	[tilespmem:$0x17100] =	vst v63  }
0xb8: {  	_ =	swait.ge [sflag:s11], $0x2800  }
0xb9: {  	s20 =	smov.u32 s23;
	[sflag:s11] =	ssyncset.done $0x0  }
0xba: {  	s20 =	sadd.s32 s19, s9;
	[sflag:s11] =	ssyncadd.s32 $0xFFFFD800  }
0xbb: {  	[tilespmem:s4], [sflag:$0x2] =	stream.linear.gather [hbm4b:s20+s4], $0x50, $0x38;
	[tilespmem:$0x17100] =	vst v63  }
0xbc: {  	_ =	swait.ge [sflag:s11], $0x50  }
0xbd: {  	[sflag:s11] =	ssyncset.done $0x0  }
0xbe: {  	s31 =	sadd.s32 s19, s8;
	[sflag:s11] =	ssyncadd.s32 $0xFFFFFFB0  }
0xbf: {  	[tilespmem:s12], [sflag:$0x2] =	stream.linear.gather [hbm4b:s31+s4], $0x50, $0x38;
	[tilespmem:$0x17100] =	vst v63  }
0xc0: {  	_ =	swait.ge [sflag:s11], $0x50  }
0xc1: {  	[sflag:s11] =	ssyncset.done $0x0  }
0xc2: {  	[sflag:s11] =	ssyncadd.s32 $0xFFFFFFB0  }
0xc3: {  	[tilespmem:s14], [sflag:$0x1] =	stream.indirect.gather [hbm4b:s1+s13], $0x80, s4, s13, $0xb8;
	[tilespmem:$0x17100] =	vst v63  }
0xc4: {  	_ =	swait.ge [sflag:s15], $0x2800  }
0xc5: {  	[sflag:s15] =	ssyncset.done $0x0  }
0xc6: {  	[sflag:s15] =	ssyncadd.s32 $0xFFFFD800  }
0xc7: {  	[spmem:s3] =	stream.indirect.scatter.add.f32 [tilespmem:s14], [sflag:$0x2], $0x80, s12, s13, $0xb8;
	[tilespmem:$0x17100] =	vst v63  }
0xc8: {  	_ =	swait.ge [sflag:s11], $0x2800  }
0xc9: {  	s18 =	sadd.s32 $0x1, s18;
	[sflag:s11] =	ssyncset.done $0x0  }
0xca: {  	p0 =	sne.s32 s18, s7;
	[sflag:s11] =	ssyncadd.s32 $0xFFFFD800  }
.Ltmp2:
0xcb: {  	[bflag:$0x0] =	sbarrier.arrive $0xFFFF;
	(pc) =	sbr.rel @p0 .LBB2_1-.Ltmp2, $4  }
0xcc: {  	[hbm:s6], [sflag:s16] =	dma.local [spmem:s17], $0x2800  }
0xcd: {  	_ =	swait.ge [sflag:s11], $0x2800  }
0xce: {  	[sflag:s11] =	ssyncset.done $0x0  }
0xcf: {  	[sflag:s11] =	ssyncadd.s32 $0xFFFFD800  }
0xd0: {  	_ =	sfence.sel $0x180000  }
0xd1: {  	[bflag:$0x0] =	sbarrier.arrive $0xFFFF  }
0xd2: {  	p0 =	sne.s32 s0, $0x0;
	_ =	strace $0x90000047  }
0xd3: {  	s0 =	sadd.s32 @!p0 $0x100000, s2;
	[bflag:$0x2] =	sbarrier.arrive $0xFFFF  }
0xd4: {  	[sflag:s0] =	ssyncadd.tile.s32 @!p0 $0x1;
	_ =	shalt  }
.Lfunc_end2:
_tile_overlayer_lowered:
.L_overlay_start_2:
0xd5: {  	(tag) =	ssettag $0x2  }
0xd6: {  	s0 =	rddreg [dreg:$0x0];
	s2 =	stileid.u32  }
0xd7: {  	s1 =	rddreg [dreg:$0x1];
	p0 =	sne.s32 s2, $0x0  }
0xd8: {  	s3 =	rddreg [dreg:$0x2];
	[bflag:$0x3] =	sbarrier.arrive $0xFFFF;
	s2 =	simm.s32 @!p0 $0x1C02  }
0xd9: {  	[timem:s3], [sflag:s2] =	dma.local @!p0 [hbm:s0], s1  }
0xda: {  	s0 =	simm.s32 @!p0 $0x2  }
0xdb: {  	_ =	swait.ge @!p0 [sflag:s0], s1  }
0xdc: {  	s1 =	ssub.s32 @!p0 $0x0, s1;
	[sflag:s0] =	ssyncset.done @!p0 $0x0  }
0xdd: {  	[sflag:s0] =	ssyncadd.s32 @!p0 s1  }
0xde: {  	[bflag:$0x3] =	sbarrier.arrive $0xFFFF  }
0xdf: {  	_ =	shalt  }

</sc_bundles>
